<compile_context>
chip_gen: v7x
topology: tpu7x:2x2x1
jax: 0.10.2.dev20260603
libtpu: 0.0.44.dev20260713+nightly
codegen_flags: <defaults>
</compile_context>

<pallas_src>
import jax
import jax.numpy as jnp
from jax import lax
from jax.experimental import pallas as pl
from jax.experimental.pallas import tpu as pltpu
from jax.experimental.pallas import tpu_sc as plsc

N = 100000
E = 1600000
LATENT = 128
DIM_HALF = 32
DIM_IN = 128

NC = 2
NS = 16
NW = NC * NS

EPT = E // NW
HK = 128
HSLICE = 6272
HPAD = NS * HSLICE

R = 8448
PASSES = 6
NPAD = NC * PASSES * R
JROW = R
EPS = E // NS
B_BLK = 10000
NV = B_BLK // 16
CAP = 10144
K = 96
ZROWS = R // NS


def _zero_i32(ref, n):
    def body(i, _):
        ref[pl.ds(i * 16, 16)] = jnp.zeros((16,), jnp.int32)
        return 0
    lax.fori_loop(0, n // 16, body, 0)


def _hist_body(dst_hbm, out_hbm, idx_v, idx2_v, tidx_v, ones_v, zrow_v,
               hsem, hsem2, shared_hist):
    c = lax.axis_index("c")
    s = lax.axis_index("s")
    wid = c * NS + s

    def fill_ones(i, _):
        ones_v[pl.ds(i * 16, 16)] = jnp.ones((16,), jnp.float32)
        return 0
    lax.fori_loop(0, HK // 16, fill_ones, 0)

    def fill_z(i, _):
        zrow_v[pl.ds(i * 16, 16)] = jnp.zeros((16,), jnp.float32)
        return 0
    lax.fori_loop(0, HSLICE // 16, fill_z, 0)

    pltpu.sync_copy(zrow_v, shared_hist.at[pl.ds(s * HSLICE, HSLICE)])
    plsc.subcore_barrier()

    base = wid * EPT
    nfull = EPT // HK

    pltpu.async_copy(dst_hbm.at[pl.ds(base, HK)], idx_v, hsem)

    def chunk(j, _):
        @pl.when(lax.rem(j, 2) == 0)
        def _():
            pltpu.make_async_copy(
                dst_hbm.at[pl.ds(base + j * HK, HK)], idx_v, hsem).wait()

            @pl.when(j + 1 < nfull)
            def _():
                pltpu.async_copy(
                    dst_hbm.at[pl.ds(base + (j + 1) * HK, HK)], idx2_v,
                    hsem2)
            pltpu.sync_copy(ones_v, shared_hist.at[idx_v], add=True)

        @pl.when(lax.rem(j, 2) == 1)
        def _():
            pltpu.make_async_copy(
                dst_hbm.at[pl.ds(base + j * HK, HK)], idx2_v, hsem2).wait()

            @pl.when(j + 1 < nfull)
            def _():
                pltpu.async_copy(
                    dst_hbm.at[pl.ds(base + (j + 1) * HK, HK)], idx_v, hsem)
            pltpu.sync_copy(ones_v, shared_hist.at[idx2_v], add=True)
        return 0
    lax.fori_loop(0, nfull, chunk, 0)
    tail = EPT - nfull * HK
    if tail:
        pltpu.sync_copy(dst_hbm.at[pl.ds(base + nfull * HK, tail)], tidx_v)
        pltpu.sync_copy(ones_v.at[pl.ds(0, tail)],
                        shared_hist.at[tidx_v], add=True)

    plsc.subcore_barrier()
    pltpu.sync_copy(shared_hist.at[pl.ds(s * HSLICE, HSLICE)],
                    out_hbm.at[pl.ds(c * HPAD + s * HSLICE, HSLICE)])


def _degree_partials(dst):
    return pl.kernel(
        _hist_body,
        out_type=jax.ShapeDtypeStruct((NC * HPAD,), jnp.float32),
        mesh=plsc.VectorSubcoreMesh(core_axis_name="c", subcore_axis_name="s",
                                    num_cores=NC, num_subcores=NS),
        compiler_params=pltpu.CompilerParams(needs_layout_passes=False),
        scratch_types=[
            pltpu.VMEM((HK,), jnp.int32),
            pltpu.VMEM((HK,), jnp.int32),
            pltpu.VMEM((EPT - (EPT // HK) * HK,), jnp.int32),
            pltpu.VMEM((HK,), jnp.float32),
            pltpu.VMEM((HSLICE,), jnp.float32),
            pltpu.SemaphoreType.DMA,
            pltpu.SemaphoreType.DMA,
            pltpu.VMEM_SHARED((HPAD,), jnp.float32),
        ],
    )(dst)


def _scatter_body(hs_hbm, src_hbm, dst_hbm, zero_hbm, acc_hbm,
                  src_v, dst_v, pend_v, lchunk_v, schunk_v, rows_v,
                  lchunk2_v, schunk2_v, rows2_v, gsem, gsem2,
                  acc_shared):
    c = lax.axis_index("c")
    s = lax.axis_index("s")
    ebase = s * EPS
    lanes = lax.iota(jnp.int32, 16)
    junk = jnp.int32(JROW << 17)

    def one_pass(p, _):
        r0 = (c * PASSES + p) * R

        pltpu.sync_copy(zero_hbm, acc_shared.at[pl.ds(s * ZROWS, ZROWS)])
        plsc.subcore_barrier()

        def one_block(blk, _):
            bbase = ebase + blk * B_BLK
            pltpu.sync_copy(src_hbm.at[pl.ds(bbase, B_BLK)], src_v)
            pltpu.sync_copy(dst_hbm.at[pl.ds(bbase, B_BLK)], dst_v)

            junkv = jnp.full((16,), junk, jnp.int32)

            def extract(m, pv, nm, cnt, outv):
                def ext(j, carry_):
                    m_, cnt_, outv_ = carry_
                    k = plsc.all_reduce_ffs(m_)[0]
                    kv = jnp.zeros((16,), jnp.int32) + k
                    valv = jnp.take_along_axis(pv, kv, axis=0)
                    slot = lax.rem(cnt_, 16)
                    outv_ = jnp.where(lanes == slot, valv, outv_)
                    pend_v[pl.ds((cnt_ // 16) * 16, 16)] = outv_
                    return (m_ & (lanes != k), cnt_ + 1, outv_)
                _, cnt, outv = lax.fori_loop(0, nm, ext, (m, cnt, outv))
                return cnt, outv

            def scan2(i, carry):
                cnt, outv = carry
                b0 = i * 32
                dv0 = dst_v[pl.ds(b0, 16)]
                sv0 = src_v[pl.ds(b0, 16)]
                dv1 = dst_v[pl.ds(b0 + 16, 16)]
                sv1 = src_v[pl.ds(b0 + 16, 16)]
                m0 = (dv0 >= r0) & (dv0 < r0 + R)
                m1 = (dv1 >= r0) & (dv1 < r0 + R)
                pv0 = ((dv0 - r0) << 17) | sv0
                pv1 = ((dv1 - r0) << 17) | sv1
                nm0 = plsc.all_reduce_population_count(m0)[0]
                nm1 = plsc.all_reduce_population_count(m1)[0]
                cnt, outv = extract(m0, pv0, nm0, cnt, outv)
                cnt, outv = extract(m1, pv1, nm1, cnt, outv)
                return (cnt, outv)
            cnt, outv = lax.fori_loop(
                0, NV // 2, scan2, (jnp.int32(0), junkv))
            dv = dst_v[pl.ds((NV - 1) * 16, 16)]
            sv = src_v[pl.ds((NV - 1) * 16, 16)]
            m = (dv >= r0) & (dv < r0 + R)
            pv = ((dv - r0) << 17) | sv
            nm = plsc.all_reduce_population_count(m)[0]
            cnt, outv = extract(m, pv, nm, cnt, outv)

            gbase = (cnt // 16) * 16
            pend_v[pl.ds(gbase, 16)] = jnp.where(
                lanes < lax.rem(cnt, 16), outv, junkv)

            def pad(i, _):
                pend_v[pl.ds(gbase + (i + 1) * 16, 16)] = junkv
                return 0
            lax.fori_loop(0, K // 16, pad, 0)

            nsub = (cnt + (K - 1)) // K

            def decode(d, sc_ref, lc_ref):
                for t in range(K // 16):
                    pv = pend_v[pl.ds(d * K + t * 16, 16)]
                    sc_ref[pl.ds(t * 16, 16)] = pv & 0x1FFFF
                    lc_ref[pl.ds(t * 16, 16)] = lax.shift_right_logical(
                        pv, 17)

            @pl.when(nsub > 0)
            def _():
                decode(0, schunk_v, lchunk_v)
                pltpu.async_copy(hs_hbm.at[schunk_v], rows_v, gsem)

            def drain(d, _):
                @pl.when(lax.rem(d, 2) == 0)
                def _():
                    pltpu.make_async_copy(
                        hs_hbm.at[schunk_v], rows_v, gsem).wait()

                    @pl.when(d + 1 < nsub)
                    def _():
                        decode(d + 1, schunk2_v, lchunk2_v)
                        pltpu.async_copy(
                            hs_hbm.at[schunk2_v], rows2_v, gsem2)
                    pltpu.sync_copy(rows_v, acc_shared.at[lchunk_v], add=True)

                @pl.when(lax.rem(d, 2) == 1)
                def _():
                    pltpu.make_async_copy(
                        hs_hbm.at[schunk2_v], rows2_v, gsem2).wait()

                    @pl.when(d + 1 < nsub)
                    def _():
                        decode(d + 1, schunk_v, lchunk_v)
                        pltpu.async_copy(hs_hbm.at[schunk_v], rows_v, gsem)
                    pltpu.sync_copy(
                        rows2_v, acc_shared.at[lchunk2_v], add=True)
                return 0
            lax.fori_loop(0, nsub, drain, 0)
            return 0
        lax.fori_loop(0, EPS // B_BLK, one_block, 0)

        plsc.subcore_barrier()
        pltpu.sync_copy(
            acc_shared.at[pl.ds(s * ZROWS, ZROWS)],
            acc_hbm.at[pl.ds(r0 + s * ZROWS, ZROWS)])
        return 0
    lax.fori_loop(0, PASSES, one_pass, 0)


def _scatter_rows(hs, src, dst, zero):
    return pl.kernel(
        _scatter_body,
        out_type=jax.ShapeDtypeStruct((NPAD, DIM_IN), jnp.float32),
        mesh=plsc.VectorSubcoreMesh(core_axis_name="c", subcore_axis_name="s",
                                    num_cores=NC, num_subcores=NS),
        compiler_params=pltpu.CompilerParams(needs_layout_passes=False),
        scratch_types=[
            pltpu.VMEM((B_BLK,), jnp.int32),
            pltpu.VMEM((B_BLK,), jnp.int32),
            pltpu.VMEM((CAP,), jnp.int32),
            pltpu.VMEM((K,), jnp.int32),
            pltpu.VMEM((K,), jnp.int32),
            pltpu.VMEM((K, DIM_IN), jnp.float32),
            pltpu.VMEM((K,), jnp.int32),
            pltpu.VMEM((K,), jnp.int32),
            pltpu.VMEM((K, DIM_IN), jnp.float32),
            pltpu.SemaphoreType.DMA,
            pltpu.SemaphoreType.DMA,
            pltpu.VMEM_SHARED((R + 8, DIM_IN), jnp.float32),
        ],
    )(hs, src, dst, zero)


ROWB = 2000


def _mlp_block(x_ref, w1_ref, b1_ref, w3_ref, b3_ref, wg_ref, h_ref):
    x = x_ref[...]
    l1 = jnp.dot(x, w1_ref[...], preferred_element_type=jnp.float32) + b1_ref[...]
    l1 = jnp.where(l1 > 0, l1, 0.01 * l1)
    l3 = jnp.dot(l1, w3_ref[...], preferred_element_type=jnp.float32) + b3_ref[...]
    l3 = jnp.where(l3 > 0, l3, 0.01 * l3)
    h_ref[...] = jnp.dot(l3, wg_ref[...], preferred_element_type=jnp.float32)


def _fused_mlp(x, W1, b1, W3, b3, Wg):
    grid = (N // ROWB,)
    return pl.pallas_call(
        _mlp_block,
        grid=grid,
        in_specs=[
            pl.BlockSpec((ROWB, LATENT), lambda i: (i, 0)),
            pl.BlockSpec((LATENT, LATENT), lambda i: (0, 0)),
            pl.BlockSpec((1, LATENT), lambda i: (0, 0)),
            pl.BlockSpec((LATENT, DIM_HALF), lambda i: (0, 0)),
            pl.BlockSpec((1, DIM_HALF), lambda i: (0, 0)),
            pl.BlockSpec((DIM_HALF, DIM_IN), lambda i: (0, 0)),
        ],
        out_specs=pl.BlockSpec((ROWB, DIM_IN), lambda i: (i, 0)),
        out_shape=jax.ShapeDtypeStruct((N, DIM_IN), jnp.float32),
    )(x, W1, b1.reshape(1, LATENT), W3, b3.reshape(1, DIM_HALF), Wg)


def _scale_block(h_ref, degp_ref, hs_ref, dinv_ref):
    deg = degp_ref[0] + degp_ref[1] + 1.0
    dinv = lax.rsqrt(deg)
    dinv_ref[...] = dinv
    hs_ref[...] = h_ref[...] * dinv


def _scale_rows(h, degp):
    grid = (N // ROWB,)
    return pl.pallas_call(
        _scale_block,
        grid=grid,
        in_specs=[
            pl.BlockSpec((ROWB, DIM_IN), lambda i: (i, 0)),
            pl.BlockSpec((NC, ROWB, 1), lambda i: (0, i, 0)),
        ],
        out_specs=[
            pl.BlockSpec((ROWB, DIM_IN), lambda i: (i, 0)),
            pl.BlockSpec((ROWB, 1), lambda i: (i, 0)),
        ],
        out_shape=[
            jax.ShapeDtypeStruct((N, DIM_IN), jnp.float32),
            jax.ShapeDtypeStruct((N, 1), jnp.float32),
        ],
    )(h, degp)


def _epilogue_block(acc_ref, hs_ref, dinv_ref, bg_ref, out_ref):
    v = (acc_ref[...] + hs_ref[...]) * dinv_ref[...] + bg_ref[...]
    out_ref[...] = jax.nn.sigmoid(v)


def _epilogue(acc, hs, dinv, bg):
    grid = (N // ROWB,)
    return pl.pallas_call(
        _epilogue_block,
        grid=grid,
        in_specs=[
            pl.BlockSpec((ROWB, DIM_IN), lambda i: (i, 0)),
            pl.BlockSpec((ROWB, DIM_IN), lambda i: (i, 0)),
            pl.BlockSpec((ROWB, 1), lambda i: (i, 0)),
            pl.BlockSpec((1, DIM_IN), lambda i: (0, 0)),
        ],
        out_specs=pl.BlockSpec((ROWB, DIM_IN), lambda i: (i, 0)),
        out_shape=jax.ShapeDtypeStruct((N, DIM_IN), jnp.float32),
    )(acc, hs, dinv, bg.reshape(1, DIM_IN))


def kernel(x, edge_index, batch, W1, b1, W3, b3, Wg, bg):
    del batch
    src = edge_index[0].astype(jnp.int32)
    dst = edge_index[1].astype(jnp.int32)
    degp = _degree_partials(dst).reshape(NC, HPAD)
    degp3 = degp[:, :N].reshape(NC, N, 1)
    h = _fused_mlp(x, W1, b1, W3, b3, Wg)
    hs, dinv = _scale_rows(h, degp3)
    zero = jnp.zeros((ZROWS, DIM_IN), jnp.float32)
    acc = _scatter_rows(hs, src, dst, zero)
    return _epilogue(acc, hs, dinv, bg)

# --- scband reference (transcript-rebuilt; emitter-appended) ---
"""Pipeline reference for scband-decoder-6399501271414 (READ-ONLY COPY).

The authoritative reference and input builder live on the scoring server;
editing this copy changes nothing except your own understanding.
"""

import jax, jax.numpy as jnp
import numpy as np

N_NODES = 100000
N_EDGES = 1600000
LATENT = 128
DIM_HALF = 32
DIM_IN = 128

def setup_inputs(seed: int = 0) -> dict:
    key = jax.random.key(seed)
    ks = jax.random.split(key, 10)
    x = jax.random.normal(ks[0], (N_NODES, LATENT), dtype=jnp.float32)
    edge_index = jax.random.randint(ks[1], (2, N_EDGES), 0, N_NODES, dtype=jnp.int64)
    batch = jnp.sort(jax.random.randint(ks[2], (N_NODES,), 0, 64, dtype=jnp.int64))
    # linear1: latent -> latent
    W1 = jax.random.normal(ks[3], (LATENT, LATENT), dtype=jnp.float32) * (1.0 / np.sqrt(LATENT))
    b1 = jnp.zeros((LATENT,), dtype=jnp.float32)
    # linear3: latent -> dim_half
    W3 = jax.random.normal(ks[4], (LATENT, DIM_HALF), dtype=jnp.float32) * (1.0 / np.sqrt(LATENT))
    b3 = jnp.zeros((DIM_HALF,), dtype=jnp.float32)
    # gcn2: dim_half -> dim_in
    Wg = jax.random.normal(ks[5], (DIM_HALF, DIM_IN), dtype=jnp.float32) * (1.0 / np.sqrt(DIM_HALF))
    bg = jnp.zeros((DIM_IN,), dtype=jnp.float32)
    return {"x": x, "edge_index": edge_index, "batch": batch, "W1": W1, "b1": b1, "W3": W3, "b3": b3, "Wg": Wg, "bg": bg}

def gcn_conv(h_in, edge_index, Wg, bg):
    # PyG GCNConv: add self loops, symmetric normalization, scatter-add aggregation
    N = h_in.shape[0]
    loop = jnp.arange(N, dtype=edge_index.dtype)
    src = jnp.concatenate([edge_index[0], loop])
    dst = jnp.concatenate([edge_index[1], loop])
    h = h_in @ Wg
    deg = jnp.zeros((N,), dtype=h.dtype).at[dst].add(1.0)
    dinv = jnp.where(deg > 0, jax.lax.rsqrt(deg), 0.0)
    norm = dinv[src] * dinv[dst]
    msg = h[src] * norm[:, None]
    out = jnp.zeros((N, h.shape[1]), dtype=h.dtype).at[dst].add(msg)
    return out + bg

def reference(x, edge_index, batch, W1, b1, W3, b3, Wg, bg):
    l1 = jax.nn.leaky_relu(x @ W1 + b1, negative_slope=0.01)
    l3 = jax.nn.leaky_relu(l1 @ W3 + b3, negative_slope=0.01)
    g2 = jax.nn.sigmoid(gcn_conv(l3, edge_index, Wg, bg))
    return g2

if __name__ == "__main__":
    import jax
    _d = setup_inputs()
    print(jax.jit(kernel)(*tuple(_d.values())))

</pallas_src>

<mosaic_0001>
#map = affine_map<(d0, d1) -> (0)>
module attributes {stable_mosaic.version = 14 : i64} {
  func.func @_hist_body(%arg0: i32, %arg1: i32, %arg2: memref<1600000xi32, #tpu.memory_space<hbm>>, %arg3: memref<200704xf32, #tpu.memory_space<hbm>>, %arg4: memref<128xi32, #tpu.memory_space<vmem>>, %arg5: memref<128xi32, #tpu.memory_space<vmem>>, %arg6: memref<80xi32, #tpu.memory_space<vmem>>, %arg7: memref<128xf32, #tpu.memory_space<vmem>>, %arg8: memref<6272xf32, #tpu.memory_space<vmem>>, %arg9: memref<!tpu.dma_semaphore, #tpu.memory_space<semaphore_mem>>, %arg10: memref<!tpu.dma_semaphore, #tpu.memory_space<semaphore_mem>>, %arg11: memref<100352xf32, #tpu.memory_space<vmem_shared>>) attributes {dimension_semantics = [#tpu.dimension_semantics<core_parallel>, #tpu.dimension_semantics<subcore_parallel>], iteration_bounds = array<i64: 2, 16>, scalar_prefetch = 0 : i64, scratch_operands = 8 : i64, tpu.core_type = #tpu.core_type<sc_vector_subcore>, window_params = [{transform_indices = #map}, {transform_indices = #map}]} {
    %mul3A = arith.constant 16 : i32
    %mul3A_0 = arith.muli %arg0, %mul3A : i32
    %add3A = arith.addi %mul3A_0, %arg1 : i32
    %scan3A = arith.constant 0 : i32
    %scan3A_1 = arith.constant 0 : i32
    %scan3A_2 = arith.constant 8 : i32
    %scan3A_3 = arith.addi %scan3A_1, %scan3A_2 : i32
    %scan3A_4 = arith.constant 1 : i32
    %scan3A_5 = scf.for %scan3A_36 = %scan3A_1 to %scan3A_3 step %scan3A_4 iter_args(%scan3A_37 = %scan3A) -> (i32)  : i32 {
      %broadcast_in_dim3A = arith.constant 1.000000e+00 : f32
      %broadcast_in_dim3A_38 = vector.broadcast %broadcast_in_dim3A : f32 to vector<16xf32>
      %mul3A_39 = arith.constant 16 : i32
      %mul3A_40 = arith.muli %scan3A_36, %mul3A_39 : i32
      %swap3A = arith.index_cast %mul3A_40 : i32 to index
      %swap3A_41 = tpu.vector_load %arg7[%swap3A] {strides = array<i32>} : memref<128xf32, #tpu.memory_space<vmem>>, vector<16xf32>,
      tpu.vector_store %arg7[%swap3A], %broadcast_in_dim3A_38 {strides = array<i32>} : memref<128xf32, #tpu.memory_space<vmem>>, vector<16xf32>,
      %scan3A_42 = arith.constant 0 : i32
      scf.yield %scan3A_42 : i32
    }
    %scan3A_6 = arith.constant 8 : i32
    %scan3A_7 = arith.constant 0 : i32
    %scan3A_8 = arith.constant 0 : i32
    %scan3A_9 = arith.constant 392 : i32
    %scan3A_10 = arith.addi %scan3A_8, %scan3A_9 : i32
    %scan3A_11 = arith.constant 1 : i32
    %scan3A_12 = scf.for %scan3A_36 = %scan3A_8 to %scan3A_10 step %scan3A_11 iter_args(%scan3A_37 = %scan3A_7) -> (i32)  : i32 {
      %broadcast_in_dim3A = arith.constant 0.000000e+00 : f32
      %broadcast_in_dim3A_38 = vector.broadcast %broadcast_in_dim3A : f32 to vector<16xf32>
      %mul3A_39 = arith.constant 16 : i32
      %mul3A_40 = arith.muli %scan3A_36, %mul3A_39 : i32
      %swap3A = arith.index_cast %mul3A_40 : i32 to index
      %swap3A_41 = tpu.vector_load %arg8[%swap3A] {strides = array<i32>} : memref<6272xf32, #tpu.memory_space<vmem>>, vector<16xf32>,
      tpu.vector_store %arg8[%swap3A], %broadcast_in_dim3A_38 {strides = array<i32>} : memref<6272xf32, #tpu.memory_space<vmem>>, vector<16xf32>,
      %scan3A_42 = arith.constant 0 : i32
      scf.yield %scan3A_42 : i32
    }
    %scan3A_13 = arith.constant 392 : i32
    %mul3A_14 = arith.constant 6272 : i32
    %mul3A_15 = arith.muli %arg1, %mul3A_14 : i32
    "tpu.region"() ({
      %run_scoped3A = tpu.sem_alloc : memref<!tpu.dma_semaphore, #tpu.memory_space<semaphore_mem>>
      %dma_start3A_36 = tpu.memref_slice %arg11[%mul3A_15] : memref<100352xf32, #tpu.memory_space<vmem_shared>> -> memref<6272xf32, #tpu.memory_space<vmem_shared>>
      %dma_start3A_37 = tpu.memref_slice %arg11[%mul3A_15] : memref<100352xf32, #tpu.memory_space<vmem_shared>> -> memref<6272xf32, #tpu.memory_space<vmem_shared>>
      tpu.enqueue_dma source(%arg8 : memref<6272xf32, #tpu.memory_space<vmem>>) target(%dma_start3A_37 : memref<6272xf32, #tpu.memory_space<vmem_shared>>) target_semaphore(%run_scoped3A : memref<!tpu.dma_semaphore, #tpu.memory_space<semaphore_mem>>)
      %dma_wait3A = tpu.memref_slice %arg11[%mul3A_15] : memref<100352xf32, #tpu.memory_space<vmem_shared>> -> memref<6272xf32, #tpu.memory_space<vmem_shared>>
      %dma_wait3A_38 = tpu.memref_slice %arg11[%mul3A_15] : memref<100352xf32, #tpu.memory_space<vmem_shared>> -> memref<6272xf32, #tpu.memory_space<vmem_shared>>
      tpu.wait_dma2 semaphore(%run_scoped3A : memref<!tpu.dma_semaphore, #tpu.memory_space<semaphore_mem>>) src(%arg8 : memref<6272xf32, #tpu.memory_space<vmem>>) dst(%dma_wait3A_38 : memref<6272xf32, #tpu.memory_space<vmem_shared>>)
      tpu.yield
    }) : () -> ()
    %barrier3A = arith.constant 0 : index
    tpu.barrier barrier_id(%barrier3A)
    %mul3A_16 = arith.constant 50000 : i32
    %mul3A_17 = arith.muli %add3A, %mul3A_16 : i32
    %dma_start3A = tpu.memref_slice %arg2[%mul3A_17] : memref<1600000xi32, #tpu.memory_space<hbm>> -> memref<128xi32, #tpu.memory_space<hbm>>
    %dma_start3A_18 = tpu.memref_slice %arg2[%mul3A_17] : memref<1600000xi32, #tpu.memory_space<hbm>> -> memref<128xi32, #tpu.memory_space<hbm>>
    tpu.enqueue_dma source(%dma_start3A_18 : memref<128xi32, #tpu.memory_space<hbm>>) target(%arg4 : memref<128xi32, #tpu.memory_space<vmem>>) target_semaphore(%arg9 : memref<!tpu.dma_semaphore, #tpu.memory_space<semaphore_mem>>)
    %scan3A_19 = arith.constant 0 : i32
    %scan3A_20 = arith.constant 0 : i32
    %scan3A_21 = arith.constant 390 : i32
    %scan3A_22 = arith.addi %scan3A_20, %scan3A_21 : i32
    %scan3A_23 = arith.constant 1 : i32
    %scan3A_24 = scf.for %scan3A_36 = %scan3A_20 to %scan3A_22 step %scan3A_23 iter_args(%scan3A_37 = %scan3A_19) -> (i32)  : i32 {
      %rem3A = arith.constant 2 : i32
      %rem3A_38 = arith.remsi %scan3A_36, %rem3A : i32
      %eq3A = arith.constant 0 : i32
      %eq3A_39 = arith.cmpi eq, %rem3A_38, %eq3A : i32
      %convert_element_type3A = arith.extui %eq3A_39 : i1 to i32
      %cond3A = arith.constant 0 : i32
      %cond3A_40 = arith.cmpi ne, %convert_element_type3A, %cond3A : i32
      scf.if %cond3A_40 {
        %mul3A_49 = arith.constant 128 : i32
        %mul3A_50 = arith.muli %scan3A_36, %mul3A_49 : i32
        %add3A_51 = arith.addi %mul3A_17, %mul3A_50 : i32
        %dma_wait3A = tpu.memref_slice %arg2[%add3A_51] : memref<1600000xi32, #tpu.memory_space<hbm>> -> memref<128xi32, #tpu.memory_space<hbm>>
        %dma_wait3A_52 = tpu.memref_slice %arg2[%add3A_51] : memref<1600000xi32, #tpu.memory_space<hbm>> -> memref<128xi32, #tpu.memory_space<hbm>>
        tpu.wait_dma2 semaphore(%arg9 : memref<!tpu.dma_semaphore, #tpu.memory_space<semaphore_mem>>) src(%dma_wait3A_52 : memref<128xi32, #tpu.memory_space<hbm>>) dst(%arg4 : memref<128xi32, #tpu.memory_space<vmem>>)
        %add3A_53 = arith.constant 1 : i32
        %add3A_54 = arith.addi %scan3A_36, %add3A_53 : i32
        %lt3A = arith.constant 390 : i32
        %lt3A_55 = arith.cmpi slt, %add3A_54, %lt3A : i32
        %convert_element_type3A_56 = arith.extui %lt3A_55 : i1 to i32
        %cond3A_57 = arith.constant 0 : i32
        %cond3A_58 = arith.cmpi ne, %convert_element_type3A_56, %cond3A_57 : i32
        scf.if %cond3A_58 {
          %add3A_59 = arith.constant 1 : i32
          %add3A_60 = arith.addi %scan3A_36, %add3A_59 : i32
          %mul3A_61 = arith.constant 128 : i32
          %mul3A_62 = arith.muli %add3A_60, %mul3A_61 : i32
          %add3A_63 = arith.addi %mul3A_17, %mul3A_62 : i32
          %dma_start3A_64 = tpu.memref_slice %arg2[%add3A_63] : memref<1600000xi32, #tpu.memory_space<hbm>> -> memref<128xi32, #tpu.memory_space<hbm>>
          %dma_start3A_65 = tpu.memref_slice %arg2[%add3A_63] : memref<1600000xi32, #tpu.memory_space<hbm>> -> memref<128xi32, #tpu.memory_space<hbm>>
          tpu.enqueue_dma source(%dma_start3A_65 : memref<128xi32, #tpu.memory_space<hbm>>) target(%arg5 : memref<128xi32, #tpu.memory_space<vmem>>) target_semaphore(%arg10 : memref<!tpu.dma_semaphore, #tpu.memory_space<semaphore_mem>>)
        } else {
        }
        "tpu.region"() ({
          %run_scoped3A = tpu.sem_alloc : memref<!tpu.dma_semaphore, #tpu.memory_space<semaphore_mem>>
          %dma_start3A_59 = arith.constant 0 : i32
          %dma_start3A_60 = tpu.memref_slice %arg11[%dma_start3A_59] : memref<100352xf32, #tpu.memory_space<vmem_shared>> -> memref<100352xf32, #tpu.memory_space<vmem_shared>>
          tpu.enqueue_indirect_dma source(%arg7 : memref<128xf32, #tpu.memory_space<vmem>>) target(%dma_start3A_60 : memref<100352xf32, #tpu.memory_space<vmem_shared>>) offsets(%arg4 : memref<128xi32, #tpu.memory_space<vmem>>) semaphore(%run_scoped3A : memref<!tpu.dma_semaphore, #tpu.memory_space<semaphore_mem>>) {add = true}
          %dma_wait3A_61 = arith.constant 0 : i32
          %dma_wait3A_62 = tpu.memref_slice %arg11[%dma_wait3A_61] : memref<100352xf32, #tpu.memory_space<vmem_shared>> -> memref<100352xf32, #tpu.memory_space<vmem_shared>>
          tpu.wait_indirect_dma semaphore(%run_scoped3A : memref<!tpu.dma_semaphore, #tpu.memory_space<semaphore_mem>>) src(%arg7 : memref<128xf32, #tpu.memory_space<vmem>>) dst(%dma_wait3A_62 : memref<100352xf32, #tpu.memory_space<vmem_shared>>)
          tpu.yield
        }) : () -> ()
      } else {
      }
      %rem3A_41 = arith.constant 2 : i32
      %rem3A_42 = arith.remsi %scan3A_36, %rem3A_41 : i32
      %eq3A_43 = arith.constant 1 : i32
      %eq3A_44 = arith.cmpi eq, %rem3A_42, %eq3A_43 : i32
      %convert_element_type3A_45 = arith.extui %eq3A_44 : i1 to i32
      %cond3A_46 = arith.constant 0 : i32
      %cond3A_47 = arith.cmpi ne, %convert_element_type3A_45, %cond3A_46 : i32
      scf.if %cond3A_47 {
        %mul3A_49 = arith.constant 128 : i32
        %mul3A_50 = arith.muli %scan3A_36, %mul3A_49 : i32
        %add3A_51 = arith.addi %mul3A_17, %mul3A_50 : i32
        %dma_wait3A = tpu.memref_slice %arg2[%add3A_51] : memref<1600000xi32, #tpu.memory_space<hbm>> -> memref<128xi32, #tpu.memory_space<hbm>>
        %dma_wait3A_52 = tpu.memref_slice %arg2[%add3A_51] : memref<1600000xi32, #tpu.memory_space<hbm>> -> memref<128xi32, #tpu.memory_space<hbm>>
        tpu.wait_dma2 semaphore(%arg10 : memref<!tpu.dma_semaphore, #tpu.memory_space<semaphore_mem>>) src(%dma_wait3A_52 : memref<128xi32, #tpu.memory_space<hbm>>) dst(%arg5 : memref<128xi32, #tpu.memory_space<vmem>>)
        %add3A_53 = arith.constant 1 : i32
        %add3A_54 = arith.addi %scan3A_36, %add3A_53 : i32
        %lt3A = arith.constant 390 : i32
        %lt3A_55 = arith.cmpi slt, %add3A_54, %lt3A : i32
        %convert_element_type3A_56 = arith.extui %lt3A_55 : i1 to i32
        %cond3A_57 = arith.constant 0 : i32
        %cond3A_58 = arith.cmpi ne, %convert_element_type3A_56, %cond3A_57 : i32
        scf.if %cond3A_58 {
          %add3A_59 = arith.constant 1 : i32
          %add3A_60 = arith.addi %scan3A_36, %add3A_59 : i32
          %mul3A_61 = arith.constant 128 : i32
          %mul3A_62 = arith.muli %add3A_60, %mul3A_61 : i32
          %add3A_63 = arith.addi %mul3A_17, %mul3A_62 : i32
          %dma_start3A_64 = tpu.memref_slice %arg2[%add3A_63] : memref<1600000xi32, #tpu.memory_space<hbm>> -> memref<128xi32, #tpu.memory_space<hbm>>
          %dma_start3A_65 = tpu.memref_slice %arg2[%add3A_63] : memref<1600000xi32, #tpu.memory_space<hbm>> -> memref<128xi32, #tpu.memory_space<hbm>>
          tpu.enqueue_dma source(%dma_start3A_65 : memref<128xi32, #tpu.memory_space<hbm>>) target(%arg4 : memref<128xi32, #tpu.memory_space<vmem>>) target_semaphore(%arg9 : memref<!tpu.dma_semaphore, #tpu.memory_space<semaphore_mem>>)
        } else {
        }
        "tpu.region"() ({
          %run_scoped3A = tpu.sem_alloc : memref<!tpu.dma_semaphore, #tpu.memory_space<semaphore_mem>>
          %dma_start3A_59 = arith.constant 0 : i32
          %dma_start3A_60 = tpu.memref_slice %arg11[%dma_start3A_59] : memref<100352xf32, #tpu.memory_space<vmem_shared>> -> memref<100352xf32, #tpu.memory_space<vmem_shared>>
          tpu.enqueue_indirect_dma source(%arg7 : memref<128xf32, #tpu.memory_space<vmem>>) target(%dma_start3A_60 : memref<100352xf32, #tpu.memory_space<vmem_shared>>) offsets(%arg5 : memref<128xi32, #tpu.memory_space<vmem>>) semaphore(%run_scoped3A : memref<!tpu.dma_semaphore, #tpu.memory_space<semaphore_mem>>) {add = true}
          %dma_wait3A_61 = arith.constant 0 : i32
          %dma_wait3A_62 = tpu.memref_slice %arg11[%dma_wait3A_61] : memref<100352xf32, #tpu.memory_space<vmem_shared>> -> memref<100352xf32, #tpu.memory_space<vmem_shared>>
          tpu.wait_indirect_dma semaphore(%run_scoped3A : memref<!tpu.dma_semaphore, #tpu.memory_space<semaphore_mem>>) src(%arg7 : memref<128xf32, #tpu.memory_space<vmem>>) dst(%dma_wait3A_62 : memref<100352xf32, #tpu.memory_space<vmem_shared>>)
          tpu.yield
        }) : () -> ()
      } else {
      }
      %scan3A_48 = arith.constant 0 : i32
      scf.yield %scan3A_48 : i32
    }
    %scan3A_25 = arith.constant 390 : i32
    %add3A_26 = arith.constant 49920 : i32
    %add3A_27 = arith.addi %mul3A_17, %add3A_26 : i32
    "tpu.region"() ({
      %run_scoped3A = tpu.sem_alloc : memref<!tpu.dma_semaphore, #tpu.memory_space<semaphore_mem>>
      %dma_start3A_36 = tpu.memref_slice %arg2[%add3A_27] : memref<1600000xi32, #tpu.memory_space<hbm>> -> memref<80xi32, #tpu.memory_space<hbm>>
      %dma_start3A_37 = tpu.memref_slice %arg2[%add3A_27] : memref<1600000xi32, #tpu.memory_space<hbm>> -> memref<80xi32, #tpu.memory_space<hbm>>
      tpu.enqueue_dma source(%dma_start3A_37 : memref<80xi32, #tpu.memory_space<hbm>>) target(%arg6 : memref<80xi32, #tpu.memory_space<vmem>>) target_semaphore(%run_scoped3A : memref<!tpu.dma_semaphore, #tpu.memory_space<semaphore_mem>>)
      %dma_wait3A = tpu.memref_slice %arg2[%add3A_27] : memref<1600000xi32, #tpu.memory_space<hbm>> -> memref<80xi32, #tpu.memory_space<hbm>>
      %dma_wait3A_38 = tpu.memref_slice %arg2[%add3A_27] : memref<1600000xi32, #tpu.memory_space<hbm>> -> memref<80xi32, #tpu.memory_space<hbm>>
      tpu.wait_dma2 semaphore(%run_scoped3A : memref<!tpu.dma_semaphore, #tpu.memory_space<semaphore_mem>>) src(%dma_wait3A_38 : memref<80xi32, #tpu.memory_space<hbm>>) dst(%arg6 : memref<80xi32, #tpu.memory_space<vmem>>)
      tpu.yield
    }) : () -> ()
    "tpu.region"() ({
      %run_scoped3A = tpu.sem_alloc : memref<!tpu.dma_semaphore, #tpu.memory_space<semaphore_mem>>
      %dma_start3A_36 = arith.constant 0 : i32
      %dma_start3A_37 = tpu.memref_slice %arg7[%dma_start3A_36] : memref<128xf32, #tpu.memory_space<vmem>> -> memref<80xf32, #tpu.memory_space<vmem>>
      %dma_start3A_38 = arith.constant 0 : i32
      %dma_start3A_39 = tpu.memref_slice %arg11[%dma_start3A_38] : memref<100352xf32, #tpu.memory_space<vmem_shared>> -> memref<100352xf32, #tpu.memory_space<vmem_shared>>
      tpu.enqueue_indirect_dma source(%dma_start3A_37 : memref<80xf32, #tpu.memory_space<vmem>>) target(%dma_start3A_39 : memref<100352xf32, #tpu.memory_space<vmem_shared>>) offsets(%arg6 : memref<80xi32, #tpu.memory_space<vmem>>) semaphore(%run_scoped3A : memref<!tpu.dma_semaphore, #tpu.memory_space<semaphore_mem>>) {add = true}
      %dma_wait3A = arith.constant 0 : i32
      %dma_wait3A_40 = tpu.memref_slice %arg7[%dma_wait3A] : memref<128xf32, #tpu.memory_space<vmem>> -> memref<80xf32, #tpu.memory_space<vmem>>
      %dma_wait3A_41 = arith.constant 0 : i32
      %dma_wait3A_42 = tpu.memref_slice %arg11[%dma_wait3A_41] : memref<100352xf32, #tpu.memory_space<vmem_shared>> -> memref<100352xf32, #tpu.memory_space<vmem_shared>>
      tpu.wait_indirect_dma semaphore(%run_scoped3A : memref<!tpu.dma_semaphore, #tpu.memory_space<semaphore_mem>>) src(%dma_wait3A_40 : memref<80xf32, #tpu.memory_space<vmem>>) dst(%dma_wait3A_42 : memref<100352xf32, #tpu.memory_space<vmem_shared>>)
      tpu.yield
    }) : () -> ()
    %barrier3A_28 = arith.constant 0 : index
    tpu.barrier barrier_id(%barrier3A_28)
    %mul3A_29 = arith.constant 6272 : i32
    %mul3A_30 = arith.muli %arg1, %mul3A_29 : i32
    %mul3A_31 = arith.constant 100352 : i32
    %mul3A_32 = arith.muli %arg0, %mul3A_31 : i32
    %mul3A_33 = arith.constant 6272 : i32
    %mul3A_34 = arith.muli %arg1, %mul3A_33 : i32
    %add3A_35 = arith.addi %mul3A_32, %mul3A_34 : i32
    "tpu.region"() ({
      %run_scoped3A = tpu.sem_alloc : memref<!tpu.dma_semaphore, #tpu.memory_space<semaphore_mem>>
      %dma_start3A_36 = tpu.memref_slice %arg3[%add3A_35] : memref<200704xf32, #tpu.memory_space<hbm>> -> memref<6272xf32, #tpu.memory_space<hbm>>
      %dma_start3A_37 = tpu.memref_slice %arg11[%mul3A_30] : memref<100352xf32, #tpu.memory_space<vmem_shared>> -> memref<6272xf32, #tpu.memory_space<vmem_shared>>
      tpu.enqueue_dma source(%dma_start3A_37 : memref<6272xf32, #tpu.memory_space<vmem_shared>>) target(%dma_start3A_36 : memref<6272xf32, #tpu.memory_space<hbm>>) target_semaphore(%run_scoped3A : memref<!tpu.dma_semaphore, #tpu.memory_space<semaphore_mem>>)
      %dma_wait3A = tpu.memref_slice %arg3[%add3A_35] : memref<200704xf32, #tpu.memory_space<hbm>> -> memref<6272xf32, #tpu.memory_space<hbm>>
      %dma_wait3A_38 = tpu.memref_slice %arg11[%mul3A_30] : memref<100352xf32, #tpu.memory_space<vmem_shared>> -> memref<6272xf32, #tpu.memory_space<vmem_shared>>
      tpu.wait_dma2 semaphore(%run_scoped3A : memref<!tpu.dma_semaphore, #tpu.memory_space<semaphore_mem>>) src(%dma_wait3A_38 : memref<6272xf32, #tpu.memory_space<vmem_shared>>) dst(%dma_wait3A : memref<6272xf32, #tpu.memory_space<hbm>>)
      tpu.yield
    }) : () -> ()
    return
  }
}

#map = affine_map<(d0, d1) -> (0, 0)>
#map1 = affine_map<(d0, d1) -> (0)>
module attributes {stable_mosaic.version = 14 : i64} {
  func.func @_scatter_body(%arg0: i32, %arg1: i32, %arg2: memref<100000x128xf32, #tpu.memory_space<hbm>>, %arg3: memref<1600000xi32, #tpu.memory_space<hbm>>, %arg4: memref<1600000xi32, #tpu.memory_space<hbm>>, %arg5: memref<528x128xf32, #tpu.memory_space<hbm>>, %arg6: memref<101376x128xf32, #tpu.memory_space<hbm>>, %arg7: memref<10000xi32, #tpu.memory_space<vmem>>, %arg8: memref<10000xi32, #tpu.memory_space<vmem>>, %arg9: memref<10144xi32, #tpu.memory_space<vmem>>, %arg10: memref<96xi32, #tpu.memory_space<vmem>>, %arg11: memref<96xi32, #tpu.memory_space<vmem>>, %arg12: memref<96x128xf32, #tpu.memory_space<vmem>>, %arg13: memref<96xi32, #tpu.memory_space<vmem>>, %arg14: memref<96xi32, #tpu.memory_space<vmem>>, %arg15: memref<96x128xf32, #tpu.memory_space<vmem>>, %arg16: memref<!tpu.dma_semaphore, #tpu.memory_space<semaphore_mem>>, %arg17: memref<!tpu.dma_semaphore, #tpu.memory_space<semaphore_mem>>, %arg18: memref<8456x128xf32, #tpu.memory_space<vmem_shared>>) attributes {dimension_semantics = [#tpu.dimension_semantics<core_parallel>, #tpu.dimension_semantics<subcore_parallel>], iteration_bounds = array<i64: 2, 16>, scalar_prefetch = 0 : i64, scratch_operands = 12 : i64, tpu.core_type = #tpu.core_type<sc_vector_subcore>, window_params = [{transform_indices = #map}, {transform_indices = #map1}, {transform_indices = #map1}, {transform_indices = #map}, {transform_indices = #map}]} {
    %mul3A = arith.constant 100000 : i32
    %mul3A_0 = arith.muli %arg1, %mul3A : i32
    %iota3A = tpu.iota {dimensions = array<i32: 0>} : vector<16xi32>
    %scan3A = arith.constant 1107296256 : i32
    %scan3A_1 = arith.constant 0 : i32
    %scan3A_2 = arith.constant 0 : i32
    %scan3A_3 = arith.constant 6 : i32
    %scan3A_4 = arith.addi %scan3A_2, %scan3A_3 : i32
    %scan3A_5 = arith.constant 1 : i32
    %scan3A_6 = scf.for %scan3A_8 = %scan3A_2 to %scan3A_4 step %scan3A_5 iter_args(%scan3A_9 = %scan3A_1) -> (i32)  : i32 {
      %mul3A_10 = arith.constant 6 : i32
      %mul3A_11 = arith.muli %arg0, %mul3A_10 : i32
      %add3A = arith.addi %mul3A_11, %scan3A_8 : i32
      %mul3A_12 = arith.constant 8448 : i32
      %mul3A_13 = arith.muli %add3A, %mul3A_12 : i32
      %mul3A_14 = arith.constant 528 : i32
      %mul3A_15 = arith.muli %arg1, %mul3A_14 : i32
      "tpu.region"() ({
        %run_scoped3A = tpu.sem_alloc : memref<!tpu.dma_semaphore, #tpu.memory_space<semaphore_mem>>
        %dma_start3A = arith.constant 0 : i32
        %dma_start3A_30 = tpu.memref_slice %arg18[%mul3A_15, %dma_start3A] : memref<8456x128xf32, #tpu.memory_space<vmem_shared>> -> memref<528x128xf32, #tpu.memory_space<vmem_shared>>
        tpu.enqueue_dma source(%arg5 : memref<528x128xf32, #tpu.memory_space<hbm>>) target(%dma_start3A_30 : memref<528x128xf32, #tpu.memory_space<vmem_shared>>) target_semaphore(%run_scoped3A : memref<!tpu.dma_semaphore, #tpu.memory_space<semaphore_mem>>)
        %dma_wait3A = arith.constant 0 : i32
        %dma_wait3A_31 = tpu.memref_slice %arg18[%mul3A_15, %dma_wait3A] : memref<8456x128xf32, #tpu.memory_space<vmem_shared>> -> memref<528x128xf32, #tpu.memory_space<vmem_shared>>
        tpu.wait_dma2 semaphore(%run_scoped3A : memref<!tpu.dma_semaphore, #tpu.memory_space<semaphore_mem>>) src(%arg5 : memref<528x128xf32, #tpu.memory_space<hbm>>) dst(%dma_wait3A_31 : memref<528x128xf32, #tpu.memory_space<vmem_shared>>)
        tpu.yield
      }) : () -> ()
      %barrier3A = arith.constant 0 : index
      tpu.barrier barrier_id(%barrier3A)
      %scan3A_16 = arith.constant 0 : i32
      %scan3A_17 = arith.constant 0 : i32
      %scan3A_18 = arith.constant 10 : i32
      %scan3A_19 = arith.addi %scan3A_17, %scan3A_18 : i32
      %scan3A_20 = arith.constant 1 : i32
      %scan3A_21 = scf.for %scan3A_30 = %scan3A_17 to %scan3A_19 step %scan3A_20 iter_args(%scan3A_31 = %scan3A_16) -> (i32)  : i32 {
        %mul3A_32 = arith.constant 10000 : i32
        %mul3A_33 = arith.muli %scan3A_30, %mul3A_32 : i32
        %add3A_34 = arith.addi %mul3A_0, %mul3A_33 : i32
        "tpu.region"() ({
          %run_scoped3A = tpu.sem_alloc : memref<!tpu.dma_semaphore, #tpu.memory_space<semaphore_mem>>
          %dma_start3A = tpu.memref_slice %arg3[%add3A_34] : memref<1600000xi32, #tpu.memory_space<hbm>> -> memref<10000xi32, #tpu.memory_space<hbm>>
          %dma_start3A_136 = tpu.memref_slice %arg3[%add3A_34] : memref<1600000xi32, #tpu.memory_space<hbm>> -> memref<10000xi32, #tpu.memory_space<hbm>>
          tpu.enqueue_dma source(%dma_start3A_136 : memref<10000xi32, #tpu.memory_space<hbm>>) target(%arg7 : memref<10000xi32, #tpu.memory_space<vmem>>) target_semaphore(%run_scoped3A : memref<!tpu.dma_semaphore, #tpu.memory_space<semaphore_mem>>)
          %dma_wait3A = tpu.memref_slice %arg3[%add3A_34] : memref<1600000xi32, #tpu.memory_space<hbm>> -> memref<10000xi32, #tpu.memory_space<hbm>>
          %dma_wait3A_137 = tpu.memref_slice %arg3[%add3A_34] : memref<1600000xi32, #tpu.memory_space<hbm>> -> memref<10000xi32, #tpu.memory_space<hbm>>
          tpu.wait_dma2 semaphore(%run_scoped3A : memref<!tpu.dma_semaphore, #tpu.memory_space<semaphore_mem>>) src(%dma_wait3A_137 : memref<10000xi32, #tpu.memory_space<hbm>>) dst(%arg7 : memref<10000xi32, #tpu.memory_space<vmem>>)
          tpu.yield
        }) : () -> ()
        "tpu.region"() ({
          %run_scoped3A = tpu.sem_alloc : memref<!tpu.dma_semaphore, #tpu.memory_space<semaphore_mem>>
          %dma_start3A = tpu.memref_slice %arg4[%add3A_34] : memref<1600000xi32, #tpu.memory_space<hbm>> -> memref<10000xi32, #tpu.memory_space<hbm>>
          %dma_start3A_136 = tpu.memref_slice %arg4[%add3A_34] : memref<1600000xi32, #tpu.memory_space<hbm>> -> memref<10000xi32, #tpu.memory_space<hbm>>
          tpu.enqueue_dma source(%dma_start3A_136 : memref<10000xi32, #tpu.memory_space<hbm>>) target(%arg8 : memref<10000xi32, #tpu.memory_space<vmem>>) target_semaphore(%run_scoped3A : memref<!tpu.dma_semaphore, #tpu.memory_space<semaphore_mem>>)
          %dma_wait3A = tpu.memref_slice %arg4[%add3A_34] : memref<1600000xi32, #tpu.memory_space<hbm>> -> memref<10000xi32, #tpu.memory_space<hbm>>
          %dma_wait3A_137 = tpu.memref_slice %arg4[%add3A_34] : memref<1600000xi32, #tpu.memory_space<hbm>> -> memref<10000xi32, #tpu.memory_space<hbm>>
          tpu.wait_dma2 semaphore(%run_scoped3A : memref<!tpu.dma_semaphore, #tpu.memory_space<semaphore_mem>>) src(%dma_wait3A_137 : memref<10000xi32, #tpu.memory_space<hbm>>) dst(%arg8 : memref<10000xi32, #tpu.memory_space<vmem>>)
          tpu.yield
        }) : () -> ()
        %broadcast_in_dim3A = vector.broadcast %scan3A : i32 to vector<16xi32>
        %scan3A_35 = arith.constant 0 : i32
        %scan3A_36 = arith.constant 0 : i32
        %scan3A_37 = arith.constant 312 : i32
        %scan3A_38 = arith.addi %scan3A_36, %scan3A_37 : i32
        %scan3A_39 = arith.constant 1 : i32
        %scan3A_40:2 = scf.for %scan3A_136 = %scan3A_36 to %scan3A_38 step %scan3A_39 iter_args(%scan3A_137 = %scan3A_35, %scan3A_138 = %broadcast_in_dim3A) -> (i32, vector<16xi32>)  : i32 {
          %mul3A_139 = arith.constant 32 : i32
          %mul3A_140 = arith.muli %scan3A_136, %mul3A_139 : i32
          %get3A_141 = arith.index_cast %mul3A_140 : i32 to index
          %get3A_142 = tpu.vector_load %arg8[%get3A_141] {strides = array<i32>} : memref<10000xi32, #tpu.memory_space<vmem>>, vector<16xi32>,
          %get3A_143 = arith.index_cast %mul3A_140 : i32 to index
          %get3A_144 = tpu.vector_load %arg7[%get3A_143] {strides = array<i32>} : memref<10000xi32, #tpu.memory_space<vmem>>, vector<16xi32>,
          %add3A_145 = arith.constant 16 : i32
          %add3A_146 = arith.addi %mul3A_140, %add3A_145 : i32
          %get3A_147 = arith.index_cast %add3A_146 : i32 to index
          %get3A_148 = tpu.vector_load %arg8[%get3A_147] {strides = array<i32>} : memref<10000xi32, #tpu.memory_space<vmem>>, vector<16xi32>,
          %add3A_149 = arith.constant 16 : i32
          %add3A_150 = arith.addi %mul3A_140, %add3A_149 : i32
          %get3A_151 = arith.index_cast %add3A_150 : i32 to index
          %get3A_152 = tpu.vector_load %arg7[%get3A_151] {strides = array<i32>} : memref<10000xi32, #tpu.memory_space<vmem>>, vector<16xi32>,
          %ge3A_153 = vector.broadcast %mul3A_13 : i32 to vector<16xi32>
          %ge3A_154 = arith.cmpi sge, %get3A_142, %ge3A_153 : vector<16xi32>
          %add3A_155 = arith.constant 8448 : i32
          %add3A_156 = arith.addi %mul3A_13, %add3A_155 : i32
          %lt3A_157 = vector.broadcast %add3A_156 : i32 to vector<16xi32>
          %lt3A_158 = arith.cmpi slt, %get3A_142, %lt3A_157 : vector<16xi32>
          %and3A_159 = arith.andi %ge3A_154, %lt3A_158 : vector<16xi1>
          %ge3A_160 = vector.broadcast %mul3A_13 : i32 to vector<16xi32>
          %ge3A_161 = arith.cmpi sge, %get3A_148, %ge3A_160 : vector<16xi32>
          %add3A_162 = arith.constant 8448 : i32
          %add3A_163 = arith.addi %mul3A_13, %add3A_162 : i32
          %lt3A_164 = vector.broadcast %add3A_163 : i32 to vector<16xi32>
          %lt3A_165 = arith.cmpi slt, %get3A_148, %lt3A_164 : vector<16xi32>
          %and3A_166 = arith.andi %ge3A_161, %lt3A_165 : vector<16xi1>
          %sub3A_167 = vector.broadcast %mul3A_13 : i32 to vector<16xi32>
          %sub3A_168 = arith.subi %get3A_142, %sub3A_167 : vector<16xi32>
          %shift_left3A_169 = arith.constant 17 : i32
          %shift_left3A_170 = vector.broadcast %shift_left3A_169 : i32 to vector<16xi32>
          %shift_left3A_171 = arith.shli %sub3A_168, %shift_left3A_170 : vector<16xi32>
          %or3A_172 = arith.ori %shift_left3A_171, %get3A_144 : vector<16xi32>
          %sub3A_173 = vector.broadcast %mul3A_13 : i32 to vector<16xi32>
          %sub3A_174 = arith.subi %get3A_148, %sub3A_173 : vector<16xi32>
          %shift_left3A_175 = arith.constant 17 : i32
          %shift_left3A_176 = vector.broadcast %shift_left3A_175 : i32 to vector<16xi32>
          %shift_left3A_177 = arith.shli %sub3A_174, %shift_left3A_176 : vector<16xi32>
          %or3A_178 = arith.ori %shift_left3A_177, %get3A_152 : vector<16xi32>
          %all_reduce_population_count3A_179 = tpu.all_reduce %and3A_159 {dim = 0 : i64, kind = #tpu.reduction_kind<sum>} : vector<16xi1> -> vector<16xi32>
          %slice3A_180 = vector.extract_strided_slice %all_reduce_population_count3A_179 {offsets = [0], sizes = [1], strides = [1]} : vector<16xi32> to vector<1xi32>
          %squeeze3A_181 = vector.extract %slice3A_180[0] : i32 from vector<1xi32>
          %all_reduce_population_count3A_182 = tpu.all_reduce %and3A_166 {dim = 0 : i64, kind = #tpu.reduction_kind<sum>} : vector<16xi1> -> vector<16xi32>
          %slice3A_183 = vector.extract_strided_slice %all_reduce_population_count3A_182 {offsets = [0], sizes = [1], strides = [1]} : vector<16xi32> to vector<1xi32>
          %squeeze3A_184 = vector.extract %slice3A_183[0] : i32 from vector<1xi32>
          %while3A_185 = arith.constant 0 : i32
          %while3A_186 = arith.subi %squeeze3A_181, %while3A_185 : i32
          %while3A_187 = arith.addi %while3A_185, %while3A_186 : i32
          %while3A_188 = arith.constant 1 : i32
          %while3A_189 = arith.divsi %while3A_186, %while3A_188 : i32
          %while3A_190 = arith.muli %while3A_189, %while3A_188 : i32
          %while3A_191 = arith.addi %while3A_185, %while3A_190 : i32
          %while3A_192 = arith.constant 1 : i32
          %while3A_193:3 = scf.for %while3A_207 = %while3A_185 to %while3A_191 step %while3A_192 iter_args(%while3A_208 = %and3A_159, %while3A_209 = %scan3A_137, %while3A_210 = %scan3A_138) -> (vector<16xi1>, i32, vector<16xi32>)  : i32 {
            %all_reduce_ffs3A = tpu.all_reduce %while3A_208 {dim = 0 : i64, kind = #tpu.reduction_kind<find_first_set>} : vector<16xi1> -> vector<16xi32>
            %slice3A_211 = vector.extract_strided_slice %all_reduce_ffs3A {offsets = [0], sizes = [1], strides = [1]} : vector<16xi32> to vector<1xi32>
            %squeeze3A_212 = vector.extract %slice3A_211[0] : i32 from vector<1xi32>
            %broadcast_in_dim3A_213 = arith.constant 0 : i32
            %broadcast_in_dim3A_214 = vector.broadcast %broadcast_in_dim3A_213 : i32 to vector<16xi32>
            %add3A_215 = vector.broadcast %squeeze3A_212 : i32 to vector<16xi32>
            %add3A_216 = arith.addi %broadcast_in_dim3A_214, %add3A_215 : vector<16xi32>
            %lt3A_217 = arith.constant 0 : i32
            %lt3A_218 = vector.broadcast %lt3A_217 : i32 to vector<16xi32>
            %lt3A_219 = arith.cmpi slt, %add3A_216, %lt3A_218 : vector<16xi32>
            %add3A_220 = arith.constant 16 : i32
            %add3A_221 = vector.broadcast %add3A_220 : i32 to vector<16xi32>
            %add3A_222 = arith.addi %add3A_216, %add3A_221 : vector<16xi32>
            %select_n3A_223 = arith.select %lt3A_219, %add3A_222, %add3A_216 : vector<16xi1>, vector<16xi32>
            %reshape3A = vector.shape_cast %select_n3A_223 : vector<16xi32> to vector<16x1xi32>
            %gather3A = vector.shape_cast %reshape3A : vector<16x1xi32> to vector<16xi32>
            %gather3A_224 = tpu.dynamic_gather %or3A_172[%gather3A] in [0] : vector<16xi32>, vector<16xi32> -> vector<16xi32>
            %rem3A_225 = arith.constant 16 : i32
            %rem3A_226 = arith.remsi %while3A_209, %rem3A_225 : i32
            %eq3A = vector.broadcast %rem3A_226 : i32 to vector<16xi32>
            %eq3A_227 = arith.cmpi eq, %iota3A, %eq3A : vector<16xi32>
            %select_n3A_228 = arith.select %eq3A_227, %gather3A_224, %while3A_210 : vector<16xi1>, vector<16xi32>
            %jit3A_229 = arith.constant 16 : i32
            %div3A_230 = arith.divsi %while3A_209, %jit3A_229 : i32
            %sign3A_231 = arith.constant 0 : i32
            %sign3A_232 = arith.cmpi sgt, %while3A_209, %sign3A_231 : i32
            %sign3A_233 = arith.extui %sign3A_232 : i1 to i32
            %sign3A_234 = arith.constant 0 : i32
            %sign3A_235 = arith.cmpi slt, %while3A_209, %sign3A_234 : i32
            %sign3A_236 = arith.extui %sign3A_235 : i1 to i32
            %sign3A_237 = arith.subi %sign3A_233, %sign3A_236 : i32
            %sign3A_238 = arith.constant 0 : i32
            %sign3A_239 = arith.cmpi sgt, %jit3A_229, %sign3A_238 : i32
            %sign3A_240 = arith.extui %sign3A_239 : i1 to i32
            %sign3A_241 = arith.constant 0 : i32
            %sign3A_242 = arith.cmpi slt, %jit3A_229, %sign3A_241 : i32
            %sign3A_243 = arith.extui %sign3A_242 : i1 to i32
            %sign3A_244 = arith.subi %sign3A_240, %sign3A_243 : i32
            %ne3A_245 = arith.cmpi ne, %sign3A_237, %sign3A_244 : i32
            %rem3A_246 = arith.remsi %while3A_209, %jit3A_229 : i32
            %ne3A_247 = arith.constant 0 : i32
            %ne3A_248 = arith.cmpi ne, %rem3A_246, %ne3A_247 : i32
            %and3A_249 = arith.andi %ne3A_245, %ne3A_248 : i1
            %sub3A_250 = arith.constant 1 : i32
            %sub3A_251 = arith.subi %div3A_230, %sub3A_250 : i32
            %select_n3A_252 = arith.select %and3A_249, %sub3A_251, %div3A_230 : i32
            %mul3A_253 = arith.constant 16 : i32
            %mul3A_254 = arith.muli %select_n3A_252, %mul3A_253 : i32
            %swap3A_255 = arith.index_cast %mul3A_254 : i32 to index
            %swap3A_256 = tpu.vector_load %arg9[%swap3A_255] {strides = array<i32>} : memref<10144xi32, #tpu.memory_space<vmem>>, vector<16xi32>,
            tpu.vector_store %arg9[%swap3A_255], %select_n3A_228 {strides = array<i32>} : memref<10144xi32, #tpu.memory_space<vmem>>, vector<16xi32>,
            %ne3A_257 = vector.broadcast %squeeze3A_212 : i32 to vector<16xi32>
            %ne3A_258 = arith.cmpi ne, %iota3A, %ne3A_257 : vector<16xi32>
            %and3A_259 = arith.andi %while3A_208, %ne3A_258 : vector<16xi1>
            %add3A_260 = arith.constant 1 : i32
            %add3A_261 = arith.addi %while3A_209, %add3A_260 : i32
            scf.yield %and3A_259, %add3A_261, %select_n3A_228 : vector<16xi1>, i32, vector<16xi32>
          }
          %while3A_194 = arith.constant 1 : i32
          %while3A_195:3 = scf.for %while3A_207 = %while3A_191 to %while3A_187 step %while3A_194 iter_args(%while3A_208 = %while3A_193#0, %while3A_209 = %while3A_193#1, %while3A_210 = %while3A_193#2) -> (vector<16xi1>, i32, vector<16xi32>)  : i32 {
            %all_reduce_ffs3A = tpu.all_reduce %while3A_208 {dim = 0 : i64, kind = #tpu.reduction_kind<find_first_set>} : vector<16xi1> -> vector<16xi32>
            %slice3A_211 = vector.extract_strided_slice %all_reduce_ffs3A {offsets = [0], sizes = [1], strides = [1]} : vector<16xi32> to vector<1xi32>
            %squeeze3A_212 = vector.extract %slice3A_211[0] : i32 from vector<1xi32>
            %broadcast_in_dim3A_213 = arith.constant 0 : i32
            %broadcast_in_dim3A_214 = vector.broadcast %broadcast_in_dim3A_213 : i32 to vector<16xi32>
            %add3A_215 = vector.broadcast %squeeze3A_212 : i32 to vector<16xi32>
            %add3A_216 = arith.addi %broadcast_in_dim3A_214, %add3A_215 : vector<16xi32>
            %lt3A_217 = arith.constant 0 : i32
            %lt3A_218 = vector.broadcast %lt3A_217 : i32 to vector<16xi32>
            %lt3A_219 = arith.cmpi slt, %add3A_216, %lt3A_218 : vector<16xi32>
            %add3A_220 = arith.constant 16 : i32
            %add3A_221 = vector.broadcast %add3A_220 : i32 to vector<16xi32>
            %add3A_222 = arith.addi %add3A_216, %add3A_221 : vector<16xi32>
            %select_n3A_223 = arith.select %lt3A_219, %add3A_222, %add3A_216 : vector<16xi1>, vector<16xi32>
            %reshape3A = vector.shape_cast %select_n3A_223 : vector<16xi32> to vector<16x1xi32>
            %gather3A = vector.shape_cast %reshape3A : vector<16x1xi32> to vector<16xi32>
            %gather3A_224 = tpu.dynamic_gather %or3A_172[%gather3A] in [0] : vector<16xi32>, vector<16xi32> -> vector<16xi32>
            %rem3A_225 = arith.constant 16 : i32
            %rem3A_226 = arith.remsi %while3A_209, %rem3A_225 : i32
            %eq3A = vector.broadcast %rem3A_226 : i32 to vector<16xi32>
            %eq3A_227 = arith.cmpi eq, %iota3A, %eq3A : vector<16xi32>
            %select_n3A_228 = arith.select %eq3A_227, %gather3A_224, %while3A_210 : vector<16xi1>, vector<16xi32>
            %jit3A_229 = arith.constant 16 : i32
            %div3A_230 = arith.divsi %while3A_209, %jit3A_229 : i32
            %sign3A_231 = arith.constant 0 : i32
            %sign3A_232 = arith.cmpi sgt, %while3A_209, %sign3A_231 : i32
            %sign3A_233 = arith.extui %sign3A_232 : i1 to i32
            %sign3A_234 = arith.constant 0 : i32
            %sign3A_235 = arith.cmpi slt, %while3A_209, %sign3A_234 : i32
            %sign3A_236 = arith.extui %sign3A_235 : i1 to i32
            %sign3A_237 = arith.subi %sign3A_233, %sign3A_236 : i32
            %sign3A_238 = arith.constant 0 : i32
            %sign3A_239 = arith.cmpi sgt, %jit3A_229, %sign3A_238 : i32
            %sign3A_240 = arith.extui %sign3A_239 : i1 to i32
            %sign3A_241 = arith.constant 0 : i32
            %sign3A_242 = arith.cmpi slt, %jit3A_229, %sign3A_241 : i32
            %sign3A_243 = arith.extui %sign3A_242 : i1 to i32
            %sign3A_244 = arith.subi %sign3A_240, %sign3A_243 : i32
            %ne3A_245 = arith.cmpi ne, %sign3A_237, %sign3A_244 : i32
            %rem3A_246 = arith.remsi %while3A_209, %jit3A_229 : i32
            %ne3A_247 = arith.constant 0 : i32
            %ne3A_248 = arith.cmpi ne, %rem3A_246, %ne3A_247 : i32
            %and3A_249 = arith.andi %ne3A_245, %ne3A_248 : i1
            %sub3A_250 = arith.constant 1 : i32
            %sub3A_251 = arith.subi %div3A_230, %sub3A_250 : i32
            %select_n3A_252 = arith.select %and3A_249, %sub3A_251, %div3A_230 : i32
            %mul3A_253 = arith.constant 16 : i32
            %mul3A_254 = arith.muli %select_n3A_252, %mul3A_253 : i32
            %swap3A_255 = arith.index_cast %mul3A_254 : i32 to index
            %swap3A_256 = tpu.vector_load %arg9[%swap3A_255] {strides = array<i32>} : memref<10144xi32, #tpu.memory_space<vmem>>, vector<16xi32>,
            tpu.vector_store %arg9[%swap3A_255], %select_n3A_228 {strides = array<i32>} : memref<10144xi32, #tpu.memory_space<vmem>>, vector<16xi32>,
            %ne3A_257 = vector.broadcast %squeeze3A_212 : i32 to vector<16xi32>
            %ne3A_258 = arith.cmpi ne, %iota3A, %ne3A_257 : vector<16xi32>
            %and3A_259 = arith.andi %while3A_208, %ne3A_258 : vector<16xi1>
            %add3A_260 = arith.constant 1 : i32
            %add3A_261 = arith.addi %while3A_209, %add3A_260 : i32
            scf.yield %and3A_259, %add3A_261, %select_n3A_228 : vector<16xi1>, i32, vector<16xi32>
          }
          %while3A_196 = arith.constant 0 : i32
          %while3A_197 = arith.subi %squeeze3A_184, %while3A_196 : i32
          %while3A_198 = arith.addi %while3A_196, %while3A_197 : i32
          %while3A_199 = arith.constant 1 : i32
          %while3A_200 = arith.divsi %while3A_197, %while3A_199 : i32
          %while3A_201 = arith.muli %while3A_200, %while3A_199 : i32
          %while3A_202 = arith.addi %while3A_196, %while3A_201 : i32
          %while3A_203 = arith.constant 1 : i32
          %while3A_204:3 = scf.for %while3A_207 = %while3A_196 to %while3A_202 step %while3A_203 iter_args(%while3A_208 = %and3A_166, %while3A_209 = %while3A_195#1, %while3A_210 = %while3A_195#2) -> (vector<16xi1>, i32, vector<16xi32>)  : i32 {
            %all_reduce_ffs3A = tpu.all_reduce %while3A_208 {dim = 0 : i64, kind = #tpu.reduction_kind<find_first_set>} : vector<16xi1> -> vector<16xi32>
            %slice3A_211 = vector.extract_strided_slice %all_reduce_ffs3A {offsets = [0], sizes = [1], strides = [1]} : vector<16xi32> to vector<1xi32>
            %squeeze3A_212 = vector.extract %slice3A_211[0] : i32 from vector<1xi32>
            %broadcast_in_dim3A_213 = arith.constant 0 : i32
            %broadcast_in_dim3A_214 = vector.broadcast %broadcast_in_dim3A_213 : i32 to vector<16xi32>
            %add3A_215 = vector.broadcast %squeeze3A_212 : i32 to vector<16xi32>
            %add3A_216 = arith.addi %broadcast_in_dim3A_214, %add3A_215 : vector<16xi32>
            %lt3A_217 = arith.constant 0 : i32
            %lt3A_218 = vector.broadcast %lt3A_217 : i32 to vector<16xi32>
            %lt3A_219 = arith.cmpi slt, %add3A_216, %lt3A_218 : vector<16xi32>
            %add3A_220 = arith.constant 16 : i32
            %add3A_221 = vector.broadcast %add3A_220 : i32 to vector<16xi32>
            %add3A_222 = arith.addi %add3A_216, %add3A_221 : vector<16xi32>
            %select_n3A_223 = arith.select %lt3A_219, %add3A_222, %add3A_216 : vector<16xi1>, vector<16xi32>
            %reshape3A = vector.shape_cast %select_n3A_223 : vector<16xi32> to vector<16x1xi32>
            %gather3A = vector.shape_cast %reshape3A : vector<16x1xi32> to vector<16xi32>
            %gather3A_224 = tpu.dynamic_gather %or3A_178[%gather3A] in [0] : vector<16xi32>, vector<16xi32> -> vector<16xi32>
            %rem3A_225 = arith.constant 16 : i32
            %rem3A_226 = arith.remsi %while3A_209, %rem3A_225 : i32
            %eq3A = vector.broadcast %rem3A_226 : i32 to vector<16xi32>
            %eq3A_227 = arith.cmpi eq, %iota3A, %eq3A : vector<16xi32>
            %select_n3A_228 = arith.select %eq3A_227, %gather3A_224, %while3A_210 : vector<16xi1>, vector<16xi32>
            %jit3A_229 = arith.constant 16 : i32
            %div3A_230 = arith.divsi %while3A_209, %jit3A_229 : i32
            %sign3A_231 = arith.constant 0 : i32
            %sign3A_232 = arith.cmpi sgt, %while3A_209, %sign3A_231 : i32
            %sign3A_233 = arith.extui %sign3A_232 : i1 to i32
            %sign3A_234 = arith.constant 0 : i32
            %sign3A_235 = arith.cmpi slt, %while3A_209, %sign3A_234 : i32
            %sign3A_236 = arith.extui %sign3A_235 : i1 to i32
            %sign3A_237 = arith.subi %sign3A_233, %sign3A_236 : i32
            %sign3A_238 = arith.constant 0 : i32
            %sign3A_239 = arith.cmpi sgt, %jit3A_229, %sign3A_238 : i32
            %sign3A_240 = arith.extui %sign3A_239 : i1 to i32
            %sign3A_241 = arith.constant 0 : i32
            %sign3A_242 = arith.cmpi slt, %jit3A_229, %sign3A_241 : i32
            %sign3A_243 = arith.extui %sign3A_242 : i1 to i32
            %sign3A_244 = arith.subi %sign3A_240, %sign3A_243 : i32
            %ne3A_245 = arith.cmpi ne, %sign3A_237, %sign3A_244 : i32
            %rem3A_246 = arith.remsi %while3A_209, %jit3A_229 : i32
            %ne3A_247 = arith.constant 0 : i32
            %ne3A_248 = arith.cmpi ne, %rem3A_246, %ne3A_247 : i32
            %and3A_249 = arith.andi %ne3A_245, %ne3A_248 : i1
            %sub3A_250 = arith.constant 1 : i32
            %sub3A_251 = arith.subi %div3A_230, %sub3A_250 : i32
            %select_n3A_252 = arith.select %and3A_249, %sub3A_251, %div3A_230 : i32
            %mul3A_253 = arith.constant 16 : i32
            %mul3A_254 = arith.muli %select_n3A_252, %mul3A_253 : i32
            %swap3A_255 = arith.index_cast %mul3A_254 : i32 to index
            %swap3A_256 = tpu.vector_load %arg9[%swap3A_255] {strides = array<i32>} : memref<10144xi32, #tpu.memory_space<vmem>>, vector<16xi32>,
            tpu.vector_store %arg9[%swap3A_255], %select_n3A_228 {strides = array<i32>} : memref<10144xi32, #tpu.memory_space<vmem>>, vector<16xi32>,
            %ne3A_257 = vector.broadcast %squeeze3A_212 : i32 to vector<16xi32>
            %ne3A_258 = arith.cmpi ne, %iota3A, %ne3A_257 : vector<16xi32>
            %and3A_259 = arith.andi %while3A_208, %ne3A_258 : vector<16xi1>
            %add3A_260 = arith.constant 1 : i32
            %add3A_261 = arith.addi %while3A_209, %add3A_260 : i32
            scf.yield %and3A_259, %add3A_261, %select_n3A_228 : vector<16xi1>, i32, vector<16xi32>
          }
          %while3A_205 = arith.constant 1 : i32
          %while3A_206:3 = scf.for %while3A_207 = %while3A_202 to %while3A_198 step %while3A_205 iter_args(%while3A_208 = %while3A_204#0, %while3A_209 = %while3A_204#1, %while3A_210 = %while3A_204#2) -> (vector<16xi1>, i32, vector<16xi32>)  : i32 {
            %all_reduce_ffs3A = tpu.all_reduce %while3A_208 {dim = 0 : i64, kind = #tpu.reduction_kind<find_first_set>} : vector<16xi1> -> vector<16xi32>
            %slice3A_211 = vector.extract_strided_slice %all_reduce_ffs3A {offsets = [0], sizes = [1], strides = [1]} : vector<16xi32> to vector<1xi32>
            %squeeze3A_212 = vector.extract %slice3A_211[0] : i32 from vector<1xi32>
            %broadcast_in_dim3A_213 = arith.constant 0 : i32
            %broadcast_in_dim3A_214 = vector.broadcast %broadcast_in_dim3A_213 : i32 to vector<16xi32>
            %add3A_215 = vector.broadcast %squeeze3A_212 : i32 to vector<16xi32>
            %add3A_216 = arith.addi %broadcast_in_dim3A_214, %add3A_215 : vector<16xi32>
            %lt3A_217 = arith.constant 0 : i32
            %lt3A_218 = vector.broadcast %lt3A_217 : i32 to vector<16xi32>
            %lt3A_219 = arith.cmpi slt, %add3A_216, %lt3A_218 : vector<16xi32>
            %add3A_220 = arith.constant 16 : i32
            %add3A_221 = vector.broadcast %add3A_220 : i32 to vector<16xi32>
            %add3A_222 = arith.addi %add3A_216, %add3A_221 : vector<16xi32>
            %select_n3A_223 = arith.select %lt3A_219, %add3A_222, %add3A_216 : vector<16xi1>, vector<16xi32>
            %reshape3A = vector.shape_cast %select_n3A_223 : vector<16xi32> to vector<16x1xi32>
            %gather3A = vector.shape_cast %reshape3A : vector<16x1xi32> to vector<16xi32>
            %gather3A_224 = tpu.dynamic_gather %or3A_178[%gather3A] in [0] : vector<16xi32>, vector<16xi32> -> vector<16xi32>
            %rem3A_225 = arith.constant 16 : i32
            %rem3A_226 = arith.remsi %while3A_209, %rem3A_225 : i32
            %eq3A = vector.broadcast %rem3A_226 : i32 to vector<16xi32>
            %eq3A_227 = arith.cmpi eq, %iota3A, %eq3A : vector<16xi32>
            %select_n3A_228 = arith.select %eq3A_227, %gather3A_224, %while3A_210 : vector<16xi1>, vector<16xi32>
            %jit3A_229 = arith.constant 16 : i32
            %div3A_230 = arith.divsi %while3A_209, %jit3A_229 : i32
            %sign3A_231 = arith.constant 0 : i32
            %sign3A_232 = arith.cmpi sgt, %while3A_209, %sign3A_231 : i32
            %sign3A_233 = arith.extui %sign3A_232 : i1 to i32
            %sign3A_234 = arith.constant 0 : i32
            %sign3A_235 = arith.cmpi slt, %while3A_209, %sign3A_234 : i32
            %sign3A_236 = arith.extui %sign3A_235 : i1 to i32
            %sign3A_237 = arith.subi %sign3A_233, %sign3A_236 : i32
            %sign3A_238 = arith.constant 0 : i32
            %sign3A_239 = arith.cmpi sgt, %jit3A_229, %sign3A_238 : i32
            %sign3A_240 = arith.extui %sign3A_239 : i1 to i32
            %sign3A_241 = arith.constant 0 : i32
            %sign3A_242 = arith.cmpi slt, %jit3A_229, %sign3A_241 : i32
            %sign3A_243 = arith.extui %sign3A_242 : i1 to i32
            %sign3A_244 = arith.subi %sign3A_240, %sign3A_243 : i32
            %ne3A_245 = arith.cmpi ne, %sign3A_237, %sign3A_244 : i32
            %rem3A_246 = arith.remsi %while3A_209, %jit3A_229 : i32
            %ne3A_247 = arith.constant 0 : i32
            %ne3A_248 = arith.cmpi ne, %rem3A_246, %ne3A_247 : i32
            %and3A_249 = arith.andi %ne3A_245, %ne3A_248 : i1
            %sub3A_250 = arith.constant 1 : i32
            %sub3A_251 = arith.subi %div3A_230, %sub3A_250 : i32
            %select_n3A_252 = arith.select %and3A_249, %sub3A_251, %div3A_230 : i32
            %mul3A_253 = arith.constant 16 : i32
            %mul3A_254 = arith.muli %select_n3A_252, %mul3A_253 : i32
            %swap3A_255 = arith.index_cast %mul3A_254 : i32 to index
            %swap3A_256 = tpu.vector_load %arg9[%swap3A_255] {strides = array<i32>} : memref<10144xi32, #tpu.memory_space<vmem>>, vector<16xi32>,
            tpu.vector_store %arg9[%swap3A_255], %select_n3A_228 {strides = array<i32>} : memref<10144xi32, #tpu.memory_space<vmem>>, vector<16xi32>,
            %ne3A_257 = vector.broadcast %squeeze3A_212 : i32 to vector<16xi32>
            %ne3A_258 = arith.cmpi ne, %iota3A, %ne3A_257 : vector<16xi32>
            %and3A_259 = arith.andi %while3A_208, %ne3A_258 : vector<16xi1>
            %add3A_260 = arith.constant 1 : i32
            %add3A_261 = arith.addi %while3A_209, %add3A_260 : i32
            scf.yield %and3A_259, %add3A_261, %select_n3A_228 : vector<16xi1>, i32, vector<16xi32>
          }
          scf.yield %while3A_206#1, %while3A_206#2 : i32, vector<16xi32>
        }
        %scan3A_41 = arith.constant 312 : i32
        %get3A = arith.constant 9984 : index
        %get3A_42 = tpu.vector_load %arg8[%get3A] {strides = array<i32>} : memref<10000xi32, #tpu.memory_space<vmem>>, vector<16xi32>,
        %get3A_43 = arith.constant 9984 : index
        %get3A_44 = tpu.vector_load %arg7[%get3A_43] {strides = array<i32>} : memref<10000xi32, #tpu.memory_space<vmem>>, vector<16xi32>,
        %ge3A = vector.broadcast %mul3A_13 : i32 to vector<16xi32>
        %ge3A_45 = arith.cmpi sge, %get3A_42, %ge3A : vector<16xi32>
        %add3A_46 = arith.constant 8448 : i32
        %add3A_47 = arith.addi %mul3A_13, %add3A_46 : i32
        %lt3A = vector.broadcast %add3A_47 : i32 to vector<16xi32>
        %lt3A_48 = arith.cmpi slt, %get3A_42, %lt3A : vector<16xi32>
        %and3A = arith.andi %ge3A_45, %lt3A_48 : vector<16xi1>
        %sub3A = vector.broadcast %mul3A_13 : i32 to vector<16xi32>
        %sub3A_49 = arith.subi %get3A_42, %sub3A : vector<16xi32>
        %shift_left3A = arith.constant 17 : i32
        %shift_left3A_50 = vector.broadcast %shift_left3A : i32 to vector<16xi32>
        %shift_left3A_51 = arith.shli %sub3A_49, %shift_left3A_50 : vector<16xi32>
        %or3A = arith.ori %shift_left3A_51, %get3A_44 : vector<16xi32>
        %all_reduce_population_count3A = tpu.all_reduce %and3A {dim = 0 : i64, kind = #tpu.reduction_kind<sum>} : vector<16xi1> -> vector<16xi32>
        %slice3A = vector.extract_strided_slice %all_reduce_population_count3A {offsets = [0], sizes = [1], strides = [1]} : vector<16xi32> to vector<1xi32>
        %squeeze3A = vector.extract %slice3A[0] : i32 from vector<1xi32>
        %while3A = arith.constant 0 : i32
        %while3A_52 = arith.subi %squeeze3A, %while3A : i32
        %while3A_53 = arith.addi %while3A, %while3A_52 : i32
        %while3A_54 = arith.constant 1 : i32
        %while3A_55 = arith.divsi %while3A_52, %while3A_54 : i32
        %while3A_56 = arith.muli %while3A_55, %while3A_54 : i32
        %while3A_57 = arith.addi %while3A, %while3A_56 : i32
        %while3A_58 = arith.constant 1 : i32
        %while3A_59:3 = scf.for %while3A_136 = %while3A to %while3A_57 step %while3A_58 iter_args(%while3A_137 = %and3A, %while3A_138 = %scan3A_40#0, %while3A_139 = %scan3A_40#1) -> (vector<16xi1>, i32, vector<16xi32>)  : i32 {
          %all_reduce_ffs3A = tpu.all_reduce %while3A_137 {dim = 0 : i64, kind = #tpu.reduction_kind<find_first_set>} : vector<16xi1> -> vector<16xi32>
          %slice3A_140 = vector.extract_strided_slice %all_reduce_ffs3A {offsets = [0], sizes = [1], strides = [1]} : vector<16xi32> to vector<1xi32>
          %squeeze3A_141 = vector.extract %slice3A_140[0] : i32 from vector<1xi32>
          %broadcast_in_dim3A_142 = arith.constant 0 : i32
          %broadcast_in_dim3A_143 = vector.broadcast %broadcast_in_dim3A_142 : i32 to vector<16xi32>
          %add3A_144 = vector.broadcast %squeeze3A_141 : i32 to vector<16xi32>
          %add3A_145 = arith.addi %broadcast_in_dim3A_143, %add3A_144 : vector<16xi32>
          %lt3A_146 = arith.constant 0 : i32
          %lt3A_147 = vector.broadcast %lt3A_146 : i32 to vector<16xi32>
          %lt3A_148 = arith.cmpi slt, %add3A_145, %lt3A_147 : vector<16xi32>
          %add3A_149 = arith.constant 16 : i32
          %add3A_150 = vector.broadcast %add3A_149 : i32 to vector<16xi32>
          %add3A_151 = arith.addi %add3A_145, %add3A_150 : vector<16xi32>
          %select_n3A_152 = arith.select %lt3A_148, %add3A_151, %add3A_145 : vector<16xi1>, vector<16xi32>
          %reshape3A = vector.shape_cast %select_n3A_152 : vector<16xi32> to vector<16x1xi32>
          %gather3A = vector.shape_cast %reshape3A : vector<16x1xi32> to vector<16xi32>
          %gather3A_153 = tpu.dynamic_gather %or3A[%gather3A] in [0] : vector<16xi32>, vector<16xi32> -> vector<16xi32>
          %rem3A_154 = arith.constant 16 : i32
          %rem3A_155 = arith.remsi %while3A_138, %rem3A_154 : i32
          %eq3A = vector.broadcast %rem3A_155 : i32 to vector<16xi32>
          %eq3A_156 = arith.cmpi eq, %iota3A, %eq3A : vector<16xi32>
          %select_n3A_157 = arith.select %eq3A_156, %gather3A_153, %while3A_139 : vector<16xi1>, vector<16xi32>
          %jit3A_158 = arith.constant 16 : i32
          %div3A_159 = arith.divsi %while3A_138, %jit3A_158 : i32
          %sign3A_160 = arith.constant 0 : i32
          %sign3A_161 = arith.cmpi sgt, %while3A_138, %sign3A_160 : i32
          %sign3A_162 = arith.extui %sign3A_161 : i1 to i32
          %sign3A_163 = arith.constant 0 : i32
          %sign3A_164 = arith.cmpi slt, %while3A_138, %sign3A_163 : i32
          %sign3A_165 = arith.extui %sign3A_164 : i1 to i32
          %sign3A_166 = arith.subi %sign3A_162, %sign3A_165 : i32
          %sign3A_167 = arith.constant 0 : i32
          %sign3A_168 = arith.cmpi sgt, %jit3A_158, %sign3A_167 : i32
          %sign3A_169 = arith.extui %sign3A_168 : i1 to i32
          %sign3A_170 = arith.constant 0 : i32
          %sign3A_171 = arith.cmpi slt, %jit3A_158, %sign3A_170 : i32
          %sign3A_172 = arith.extui %sign3A_171 : i1 to i32
          %sign3A_173 = arith.subi %sign3A_169, %sign3A_172 : i32
          %ne3A_174 = arith.cmpi ne, %sign3A_166, %sign3A_173 : i32
          %rem3A_175 = arith.remsi %while3A_138, %jit3A_158 : i32
          %ne3A_176 = arith.constant 0 : i32
          %ne3A_177 = arith.cmpi ne, %rem3A_175, %ne3A_176 : i32
          %and3A_178 = arith.andi %ne3A_174, %ne3A_177 : i1
          %sub3A_179 = arith.constant 1 : i32
          %sub3A_180 = arith.subi %div3A_159, %sub3A_179 : i32
          %select_n3A_181 = arith.select %and3A_178, %sub3A_180, %div3A_159 : i32
          %mul3A_182 = arith.constant 16 : i32
          %mul3A_183 = arith.muli %select_n3A_181, %mul3A_182 : i32
          %swap3A_184 = arith.index_cast %mul3A_183 : i32 to index
          %swap3A_185 = tpu.vector_load %arg9[%swap3A_184] {strides = array<i32>} : memref<10144xi32, #tpu.memory_space<vmem>>, vector<16xi32>,
          tpu.vector_store %arg9[%swap3A_184], %select_n3A_157 {strides = array<i32>} : memref<10144xi32, #tpu.memory_space<vmem>>, vector<16xi32>,
          %ne3A_186 = vector.broadcast %squeeze3A_141 : i32 to vector<16xi32>
          %ne3A_187 = arith.cmpi ne, %iota3A, %ne3A_186 : vector<16xi32>
          %and3A_188 = arith.andi %while3A_137, %ne3A_187 : vector<16xi1>
          %add3A_189 = arith.constant 1 : i32
          %add3A_190 = arith.addi %while3A_138, %add3A_189 : i32
          scf.yield %and3A_188, %add3A_190, %select_n3A_157 : vector<16xi1>, i32, vector<16xi32>
        }
        %while3A_60 = arith.constant 1 : i32
        %while3A_61:3 = scf.for %while3A_136 = %while3A_57 to %while3A_53 step %while3A_60 iter_args(%while3A_137 = %while3A_59#0, %while3A_138 = %while3A_59#1, %while3A_139 = %while3A_59#2) -> (vector<16xi1>, i32, vector<16xi32>)  : i32 {
          %all_reduce_ffs3A = tpu.all_reduce %while3A_137 {dim = 0 : i64, kind = #tpu.reduction_kind<find_first_set>} : vector<16xi1> -> vector<16xi32>
          %slice3A_140 = vector.extract_strided_slice %all_reduce_ffs3A {offsets = [0], sizes = [1], strides = [1]} : vector<16xi32> to vector<1xi32>
          %squeeze3A_141 = vector.extract %slice3A_140[0] : i32 from vector<1xi32>
          %broadcast_in_dim3A_142 = arith.constant 0 : i32
          %broadcast_in_dim3A_143 = vector.broadcast %broadcast_in_dim3A_142 : i32 to vector<16xi32>
          %add3A_144 = vector.broadcast %squeeze3A_141 : i32 to vector<16xi32>
          %add3A_145 = arith.addi %broadcast_in_dim3A_143, %add3A_144 : vector<16xi32>
          %lt3A_146 = arith.constant 0 : i32
          %lt3A_147 = vector.broadcast %lt3A_146 : i32 to vector<16xi32>
          %lt3A_148 = arith.cmpi slt, %add3A_145, %lt3A_147 : vector<16xi32>
          %add3A_149 = arith.constant 16 : i32
          %add3A_150 = vector.broadcast %add3A_149 : i32 to vector<16xi32>
          %add3A_151 = arith.addi %add3A_145, %add3A_150 : vector<16xi32>
          %select_n3A_152 = arith.select %lt3A_148, %add3A_151, %add3A_145 : vector<16xi1>, vector<16xi32>
          %reshape3A = vector.shape_cast %select_n3A_152 : vector<16xi32> to vector<16x1xi32>
          %gather3A = vector.shape_cast %reshape3A : vector<16x1xi32> to vector<16xi32>
          %gather3A_153 = tpu.dynamic_gather %or3A[%gather3A] in [0] : vector<16xi32>, vector<16xi32> -> vector<16xi32>
          %rem3A_154 = arith.constant 16 : i32
          %rem3A_155 = arith.remsi %while3A_138, %rem3A_154 : i32
          %eq3A = vector.broadcast %rem3A_155 : i32 to vector<16xi32>
          %eq3A_156 = arith.cmpi eq, %iota3A, %eq3A : vector<16xi32>
          %select_n3A_157 = arith.select %eq3A_156, %gather3A_153, %while3A_139 : vector<16xi1>, vector<16xi32>
          %jit3A_158 = arith.constant 16 : i32
          %div3A_159 = arith.divsi %while3A_138, %jit3A_158 : i32
          %sign3A_160 = arith.constant 0 : i32
          %sign3A_161 = arith.cmpi sgt, %while3A_138, %sign3A_160 : i32
          %sign3A_162 = arith.extui %sign3A_161 : i1 to i32
          %sign3A_163 = arith.constant 0 : i32
          %sign3A_164 = arith.cmpi slt, %while3A_138, %sign3A_163 : i32
          %sign3A_165 = arith.extui %sign3A_164 : i1 to i32
          %sign3A_166 = arith.subi %sign3A_162, %sign3A_165 : i32
          %sign3A_167 = arith.constant 0 : i32
          %sign3A_168 = arith.cmpi sgt, %jit3A_158, %sign3A_167 : i32
          %sign3A_169 = arith.extui %sign3A_168 : i1 to i32
          %sign3A_170 = arith.constant 0 : i32
          %sign3A_171 = arith.cmpi slt, %jit3A_158, %sign3A_170 : i32
          %sign3A_172 = arith.extui %sign3A_171 : i1 to i32
          %sign3A_173 = arith.subi %sign3A_169, %sign3A_172 : i32
          %ne3A_174 = arith.cmpi ne, %sign3A_166, %sign3A_173 : i32
          %rem3A_175 = arith.remsi %while3A_138, %jit3A_158 : i32
          %ne3A_176 = arith.constant 0 : i32
          %ne3A_177 = arith.cmpi ne, %rem3A_175, %ne3A_176 : i32
          %and3A_178 = arith.andi %ne3A_174, %ne3A_177 : i1
          %sub3A_179 = arith.constant 1 : i32
          %sub3A_180 = arith.subi %div3A_159, %sub3A_179 : i32
          %select_n3A_181 = arith.select %and3A_178, %sub3A_180, %div3A_159 : i32
          %mul3A_182 = arith.constant 16 : i32
          %mul3A_183 = arith.muli %select_n3A_181, %mul3A_182 : i32
          %swap3A_184 = arith.index_cast %mul3A_183 : i32 to index
          %swap3A_185 = tpu.vector_load %arg9[%swap3A_184] {strides = array<i32>} : memref<10144xi32, #tpu.memory_space<vmem>>, vector<16xi32>,
          tpu.vector_store %arg9[%swap3A_184], %select_n3A_157 {strides = array<i32>} : memref<10144xi32, #tpu.memory_space<vmem>>, vector<16xi32>,
          %ne3A_186 = vector.broadcast %squeeze3A_141 : i32 to vector<16xi32>
          %ne3A_187 = arith.cmpi ne, %iota3A, %ne3A_186 : vector<16xi32>
          %and3A_188 = arith.andi %while3A_137, %ne3A_187 : vector<16xi1>
          %add3A_189 = arith.constant 1 : i32
          %add3A_190 = arith.addi %while3A_138, %add3A_189 : i32
          scf.yield %and3A_188, %add3A_190, %select_n3A_157 : vector<16xi1>, i32, vector<16xi32>
        }
        %jit3A = arith.constant 16 : i32
        %div3A = arith.divsi %while3A_61#1, %jit3A : i32
        %sign3A = arith.constant 0 : i32
        %sign3A_62 = arith.cmpi sgt, %while3A_61#1, %sign3A : i32
        %sign3A_63 = arith.extui %sign3A_62 : i1 to i32
        %sign3A_64 = arith.constant 0 : i32
        %sign3A_65 = arith.cmpi slt, %while3A_61#1, %sign3A_64 : i32
        %sign3A_66 = arith.extui %sign3A_65 : i1 to i32
        %sign3A_67 = arith.subi %sign3A_63, %sign3A_66 : i32
        %sign3A_68 = arith.constant 0 : i32
        %sign3A_69 = arith.cmpi sgt, %jit3A, %sign3A_68 : i32
        %sign3A_70 = arith.extui %sign3A_69 : i1 to i32
        %sign3A_71 = arith.constant 0 : i32
        %sign3A_72 = arith.cmpi slt, %jit3A, %sign3A_71 : i32
        %sign3A_73 = arith.extui %sign3A_72 : i1 to i32
        %sign3A_74 = arith.subi %sign3A_70, %sign3A_73 : i32
        %ne3A = arith.cmpi ne, %sign3A_67, %sign3A_74 : i32
        %rem3A = arith.remsi %while3A_61#1, %jit3A : i32
        %ne3A_75 = arith.constant 0 : i32
        %ne3A_76 = arith.cmpi ne, %rem3A, %ne3A_75 : i32
        %and3A_77 = arith.andi %ne3A, %ne3A_76 : i1
        %sub3A_78 = arith.constant 1 : i32
        %sub3A_79 = arith.subi %div3A, %sub3A_78 : i32
        %select_n3A = arith.select %and3A_77, %sub3A_79, %div3A : i32
        %mul3A_80 = arith.constant 16 : i32
        %mul3A_81 = arith.muli %select_n3A, %mul3A_80 : i32
        %rem3A_82 = arith.constant 16 : i32
        %rem3A_83 = arith.remsi %while3A_61#1, %rem3A_82 : i32
        %lt3A_84 = vector.broadcast %rem3A_83 : i32 to vector<16xi32>
        %lt3A_85 = arith.cmpi slt, %iota3A, %lt3A_84 : vector<16xi32>
        %select_n3A_86 = arith.select %lt3A_85, %while3A_61#2, %broadcast_in_dim3A : vector<16xi1>, vector<16xi32>
        %swap3A = arith.index_cast %mul3A_81 : i32 to index
        %swap3A_87 = tpu.vector_load %arg9[%swap3A] {strides = array<i32>} : memref<10144xi32, #tpu.memory_space<vmem>>, vector<16xi32>,
        tpu.vector_store %arg9[%swap3A], %select_n3A_86 {strides = array<i32>} : memref<10144xi32, #tpu.memory_space<vmem>>, vector<16xi32>,
        %scan3A_88 = arith.constant 0 : i32
        %scan3A_89 = arith.constant 0 : i32
        %scan3A_90 = arith.constant 6 : i32
        %scan3A_91 = arith.addi %scan3A_89, %scan3A_90 : i32
        %scan3A_92 = arith.constant 1 : i32
        %scan3A_93 = scf.for %scan3A_136 = %scan3A_89 to %scan3A_91 step %scan3A_92 iter_args(%scan3A_137 = %scan3A_88) -> (i32)  : i32 {
          %add3A_138 = arith.constant 1 : i32
          %add3A_139 = arith.addi %scan3A_136, %add3A_138 : i32
          %mul3A_140 = arith.constant 16 : i32
          %mul3A_141 = arith.muli %add3A_139, %mul3A_140 : i32
          %add3A_142 = arith.addi %mul3A_81, %mul3A_141 : i32
          %swap3A_143 = arith.index_cast %add3A_142 : i32 to index
          %swap3A_144 = tpu.vector_load %arg9[%swap3A_143] {strides = array<i32>} : memref<10144xi32, #tpu.memory_space<vmem>>, vector<16xi32>,
          tpu.vector_store %arg9[%swap3A_143], %broadcast_in_dim3A {strides = array<i32>} : memref<10144xi32, #tpu.memory_space<vmem>>, vector<16xi32>,
          %scan3A_145 = arith.constant 0 : i32
          scf.yield %scan3A_145 : i32
        }
        %scan3A_94 = arith.constant 6 : i32
        %add3A_95 = arith.constant 95 : i32
        %add3A_96 = arith.addi %while3A_61#1, %add3A_95 : i32
        %jit3A_97 = arith.constant 96 : i32
        %div3A_98 = arith.divsi %add3A_96, %jit3A_97 : i32
        %sign3A_99 = arith.constant 0 : i32
        %sign3A_100 = arith.cmpi sgt, %add3A_96, %sign3A_99 : i32
        %sign3A_101 = arith.extui %sign3A_100 : i1 to i32
        %sign3A_102 = arith.constant 0 : i32
        %sign3A_103 = arith.cmpi slt, %add3A_96, %sign3A_102 : i32
        %sign3A_104 = arith.extui %sign3A_103 : i1 to i32
        %sign3A_105 = arith.subi %sign3A_101, %sign3A_104 : i32
        %sign3A_106 = arith.constant 0 : i32
        %sign3A_107 = arith.cmpi sgt, %jit3A_97, %sign3A_106 : i32
        %sign3A_108 = arith.extui %sign3A_107 : i1 to i32
        %sign3A_109 = arith.constant 0 : i32
        %sign3A_110 = arith.cmpi slt, %jit3A_97, %sign3A_109 : i32
        %sign3A_111 = arith.extui %sign3A_110 : i1 to i32
        %sign3A_112 = arith.subi %sign3A_108, %sign3A_111 : i32
        %ne3A_113 = arith.cmpi ne, %sign3A_105, %sign3A_112 : i32
        %rem3A_114 = arith.remsi %add3A_96, %jit3A_97 : i32
        %ne3A_115 = arith.constant 0 : i32
        %ne3A_116 = arith.cmpi ne, %rem3A_114, %ne3A_115 : i32
        %and3A_117 = arith.andi %ne3A_113, %ne3A_116 : i1
        %sub3A_118 = arith.constant 1 : i32
        %sub3A_119 = arith.subi %div3A_98, %sub3A_118 : i32
        %select_n3A_120 = arith.select %and3A_117, %sub3A_119, %div3A_98 : i32
        %gt3A = arith.constant 0 : i32
        %gt3A_121 = arith.cmpi sgt, %select_n3A_120, %gt3A : i32
        %convert_element_type3A = arith.extui %gt3A_121 : i1 to i32
        %cond3A = arith.constant 0 : i32
        %cond3A_122 = arith.cmpi ne, %convert_element_type3A, %cond3A : i32
        scf.if %cond3A_122 {
          %get3A_136 = arith.constant 0 : index
          %get3A_137 = tpu.vector_load %arg9[%get3A_136] {strides = array<i32>} : memref<10144xi32, #tpu.memory_space<vmem>>, vector<16xi32>,
          %and3A_138 = arith.constant 131071 : i32
          %and3A_139 = vector.broadcast %and3A_138 : i32 to vector<16xi32>
          %and3A_140 = arith.andi %get3A_137, %and3A_139 : vector<16xi32>
          %swap3A_141 = arith.constant 0 : index
          %swap3A_142 = tpu.vector_load %arg11[%swap3A_141] {strides = array<i32>} : memref<96xi32, #tpu.memory_space<vmem>>, vector<16xi32>,
          tpu.vector_store %arg11[%swap3A_141], %and3A_140 {strides = array<i32>} : memref<96xi32, #tpu.memory_space<vmem>>, vector<16xi32>,
          %shift_right_logical3A = arith.constant 17 : i32
          %shift_right_logical3A_143 = vector.broadcast %shift_right_logical3A : i32 to vector<16xi32>
          %shift_right_logical3A_144 = arith.shrui %get3A_137, %shift_right_logical3A_143 : vector<16xi32>
          %swap3A_145 = arith.constant 0 : index
          %swap3A_146 = tpu.vector_load %arg10[%swap3A_145] {strides = array<i32>} : memref<96xi32, #tpu.memory_space<vmem>>, vector<16xi32>,
          tpu.vector_store %arg10[%swap3A_145], %shift_right_logical3A_144 {strides = array<i32>} : memref<96xi32, #tpu.memory_space<vmem>>, vector<16xi32>,
          %get3A_147 = arith.constant 16 : index
          %get3A_148 = tpu.vector_load %arg9[%get3A_147] {strides = array<i32>} : memref<10144xi32, #tpu.memory_space<vmem>>, vector<16xi32>,
          %and3A_149 = arith.constant 131071 : i32
          %and3A_150 = vector.broadcast %and3A_149 : i32 to vector<16xi32>
          %and3A_151 = arith.andi %get3A_148, %and3A_150 : vector<16xi32>
          %swap3A_152 = arith.constant 16 : index
          %swap3A_153 = tpu.vector_load %arg11[%swap3A_152] {strides = array<i32>} : memref<96xi32, #tpu.memory_space<vmem>>, vector<16xi32>,
          tpu.vector_store %arg11[%swap3A_152], %and3A_151 {strides = array<i32>} : memref<96xi32, #tpu.memory_space<vmem>>, vector<16xi32>,
          %shift_right_logical3A_154 = arith.constant 17 : i32
          %shift_right_logical3A_155 = vector.broadcast %shift_right_logical3A_154 : i32 to vector<16xi32>
          %shift_right_logical3A_156 = arith.shrui %get3A_148, %shift_right_logical3A_155 : vector<16xi32>
          %swap3A_157 = arith.constant 16 : index
          %swap3A_158 = tpu.vector_load %arg10[%swap3A_157] {strides = array<i32>} : memref<96xi32, #tpu.memory_space<vmem>>, vector<16xi32>,
          tpu.vector_store %arg10[%swap3A_157], %shift_right_logical3A_156 {strides = array<i32>} : memref<96xi32, #tpu.memory_space<vmem>>, vector<16xi32>,
          %get3A_159 = arith.constant 32 : index
          %get3A_160 = tpu.vector_load %arg9[%get3A_159] {strides = array<i32>} : memref<10144xi32, #tpu.memory_space<vmem>>, vector<16xi32>,
          %and3A_161 = arith.constant 131071 : i32
          %and3A_162 = vector.broadcast %and3A_161 : i32 to vector<16xi32>
          %and3A_163 = arith.andi %get3A_160, %and3A_162 : vector<16xi32>
          %swap3A_164 = arith.constant 32 : index
          %swap3A_165 = tpu.vector_load %arg11[%swap3A_164] {strides = array<i32>} : memref<96xi32, #tpu.memory_space<vmem>>, vector<16xi32>,
          tpu.vector_store %arg11[%swap3A_164], %and3A_163 {strides = array<i32>} : memref<96xi32, #tpu.memory_space<vmem>>, vector<16xi32>,
          %shift_right_logical3A_166 = arith.constant 17 : i32
          %shift_right_logical3A_167 = vector.broadcast %shift_right_logical3A_166 : i32 to vector<16xi32>
          %shift_right_logical3A_168 = arith.shrui %get3A_160, %shift_right_logical3A_167 : vector<16xi32>
          %swap3A_169 = arith.constant 32 : index
          %swap3A_170 = tpu.vector_load %arg10[%swap3A_169] {strides = array<i32>} : memref<96xi32, #tpu.memory_space<vmem>>, vector<16xi32>,
          tpu.vector_store %arg10[%swap3A_169], %shift_right_logical3A_168 {strides = array<i32>} : memref<96xi32, #tpu.memory_space<vmem>>, vector<16xi32>,
          %get3A_171 = arith.constant 48 : index
          %get3A_172 = tpu.vector_load %arg9[%get3A_171] {strides = array<i32>} : memref<10144xi32, #tpu.memory_space<vmem>>, vector<16xi32>,
          %and3A_173 = arith.constant 131071 : i32
          %and3A_174 = vector.broadcast %and3A_173 : i32 to vector<16xi32>
          %and3A_175 = arith.andi %get3A_172, %and3A_174 : vector<16xi32>
          %swap3A_176 = arith.constant 48 : index
          %swap3A_177 = tpu.vector_load %arg11[%swap3A_176] {strides = array<i32>} : memref<96xi32, #tpu.memory_space<vmem>>, vector<16xi32>,
          tpu.vector_store %arg11[%swap3A_176], %and3A_175 {strides = array<i32>} : memref<96xi32, #tpu.memory_space<vmem>>, vector<16xi32>,
          %shift_right_logical3A_178 = arith.constant 17 : i32
          %shift_right_logical3A_179 = vector.broadcast %shift_right_logical3A_178 : i32 to vector<16xi32>
          %shift_right_logical3A_180 = arith.shrui %get3A_172, %shift_right_logical3A_179 : vector<16xi32>
          %swap3A_181 = arith.constant 48 : index
          %swap3A_182 = tpu.vector_load %arg10[%swap3A_181] {strides = array<i32>} : memref<96xi32, #tpu.memory_space<vmem>>, vector<16xi32>,
          tpu.vector_store %arg10[%swap3A_181], %shift_right_logical3A_180 {strides = array<i32>} : memref<96xi32, #tpu.memory_space<vmem>>, vector<16xi32>,
          %get3A_183 = arith.constant 64 : index
          %get3A_184 = tpu.vector_load %arg9[%get3A_183] {strides = array<i32>} : memref<10144xi32, #tpu.memory_space<vmem>>, vector<16xi32>,
          %and3A_185 = arith.constant 131071 : i32
          %and3A_186 = vector.broadcast %and3A_185 : i32 to vector<16xi32>
          %and3A_187 = arith.andi %get3A_184, %and3A_186 : vector<16xi32>
          %swap3A_188 = arith.constant 64 : index
          %swap3A_189 = tpu.vector_load %arg11[%swap3A_188] {strides = array<i32>} : memref<96xi32, #tpu.memory_space<vmem>>, vector<16xi32>,
          tpu.vector_store %arg11[%swap3A_188], %and3A_187 {strides = array<i32>} : memref<96xi32, #tpu.memory_space<vmem>>, vector<16xi32>,
          %shift_right_logical3A_190 = arith.constant 17 : i32
          %shift_right_logical3A_191 = vector.broadcast %shift_right_logical3A_190 : i32 to vector<16xi32>
          %shift_right_logical3A_192 = arith.shrui %get3A_184, %shift_right_logical3A_191 : vector<16xi32>
          %swap3A_193 = arith.constant 64 : index
          %swap3A_194 = tpu.vector_load %arg10[%swap3A_193] {strides = array<i32>} : memref<96xi32, #tpu.memory_space<vmem>>, vector<16xi32>,
          tpu.vector_store %arg10[%swap3A_193], %shift_right_logical3A_192 {strides = array<i32>} : memref<96xi32, #tpu.memory_space<vmem>>, vector<16xi32>,
          %get3A_195 = arith.constant 80 : index
          %get3A_196 = tpu.vector_load %arg9[%get3A_195] {strides = array<i32>} : memref<10144xi32, #tpu.memory_space<vmem>>, vector<16xi32>,
          %and3A_197 = arith.constant 131071 : i32
          %and3A_198 = vector.broadcast %and3A_197 : i32 to vector<16xi32>
          %and3A_199 = arith.andi %get3A_196, %and3A_198 : vector<16xi32>
          %swap3A_200 = arith.constant 80 : index
          %swap3A_201 = tpu.vector_load %arg11[%swap3A_200] {strides = array<i32>} : memref<96xi32, #tpu.memory_space<vmem>>, vector<16xi32>,
          tpu.vector_store %arg11[%swap3A_200], %and3A_199 {strides = array<i32>} : memref<96xi32, #tpu.memory_space<vmem>>, vector<16xi32>,
          %shift_right_logical3A_202 = arith.constant 17 : i32
          %shift_right_logical3A_203 = vector.broadcast %shift_right_logical3A_202 : i32 to vector<16xi32>
          %shift_right_logical3A_204 = arith.shrui %get3A_196, %shift_right_logical3A_203 : vector<16xi32>
          %swap3A_205 = arith.constant 80 : index
          %swap3A_206 = tpu.vector_load %arg10[%swap3A_205] {strides = array<i32>} : memref<96xi32, #tpu.memory_space<vmem>>, vector<16xi32>,
          tpu.vector_store %arg10[%swap3A_205], %shift_right_logical3A_204 {strides = array<i32>} : memref<96xi32, #tpu.memory_space<vmem>>, vector<16xi32>,
          %dma_start3A = arith.constant 0 : i32
          %dma_start3A_207 = arith.constant 0 : i32
          %dma_start3A_208 = tpu.memref_slice %arg2[%dma_start3A, %dma_start3A_207] : memref<100000x128xf32, #tpu.memory_space<hbm>> -> memref<100000x128xf32, #tpu.memory_space<hbm>>
          tpu.enqueue_indirect_dma source(%dma_start3A_208 : memref<100000x128xf32, #tpu.memory_space<hbm>>) target(%arg12 : memref<96x128xf32, #tpu.memory_space<vmem>>) offsets(%arg11 : memref<96xi32, #tpu.memory_space<vmem>>) semaphore(%arg16 : memref<!tpu.dma_semaphore, #tpu.memory_space<semaphore_mem>>)
        } else {
        }
        %while3A_123 = arith.constant 0 : i32
        %while3A_124 = arith.constant 0 : i32
        %while3A_125 = arith.subi %select_n3A_120, %while3A_123 : i32
        %while3A_126 = arith.addi %while3A_123, %while3A_125 : i32
        %while3A_127 = arith.constant 1 : i32
        %while3A_128 = arith.divsi %while3A_125, %while3A_127 : i32
        %while3A_129 = arith.muli %while3A_128, %while3A_127 : i32
        %while3A_130 = arith.addi %while3A_123, %while3A_129 : i32
        %while3A_131 = arith.constant 1 : i32
        %while3A_132 = scf.for %while3A_136 = %while3A_123 to %while3A_130 step %while3A_131 iter_args(%while3A_137 = %while3A_124) -> (i32)  : i32 {
          %rem3A_138 = arith.constant 2 : i32
          %rem3A_139 = arith.remsi %while3A_136, %rem3A_138 : i32
          %eq3A = arith.constant 0 : i32
          %eq3A_140 = arith.cmpi eq, %rem3A_139, %eq3A : i32
          %convert_element_type3A_141 = arith.extui %eq3A_140 : i1 to i32
          %cond3A_142 = arith.constant 0 : i32
          %cond3A_143 = arith.cmpi ne, %convert_element_type3A_141, %cond3A_142 : i32
          scf.if %cond3A_143 {
            %dma_wait3A = arith.constant 0 : i32
            %dma_wait3A_152 = arith.constant 0 : i32
            %dma_wait3A_153 = tpu.memref_slice %arg2[%dma_wait3A, %dma_wait3A_152] : memref<100000x128xf32, #tpu.memory_space<hbm>> -> memref<100000x128xf32, #tpu.memory_space<hbm>>
            tpu.wait_indirect_dma semaphore(%arg16 : memref<!tpu.dma_semaphore, #tpu.memory_space<semaphore_mem>>) src(%dma_wait3A_153 : memref<100000x128xf32, #tpu.memory_space<hbm>>) dst(%arg12 : memref<96x128xf32, #tpu.memory_space<vmem>>)
            %add3A_154 = arith.constant 1 : i32
            %add3A_155 = arith.addi %while3A_136, %add3A_154 : i32
            %lt3A_156 = arith.cmpi slt, %add3A_155, %select_n3A_120 : i32
            %convert_element_type3A_157 = arith.extui %lt3A_156 : i1 to i32
            %cond3A_158 = arith.constant 0 : i32
            %cond3A_159 = arith.cmpi ne, %convert_element_type3A_157, %cond3A_158 : i32
            scf.if %cond3A_159 {
              %add3A_160 = arith.constant 1 : i32
              %add3A_161 = arith.addi %while3A_136, %add3A_160 : i32
              %mul3A_162 = arith.constant 96 : i32
              %mul3A_163 = arith.muli %add3A_161, %mul3A_162 : i32
              %add3A_164 = arith.constant 0 : i32
              %add3A_165 = arith.addi %mul3A_163, %add3A_164 : i32
              %get3A_166 = arith.index_cast %add3A_165 : i32 to index
              %get3A_167 = tpu.vector_load %arg9[%get3A_166] {strides = array<i32>} : memref<10144xi32, #tpu.memory_space<vmem>>, vector<16xi32>,
              %and3A_168 = arith.constant 131071 : i32
              %and3A_169 = vector.broadcast %and3A_168 : i32 to vector<16xi32>
              %and3A_170 = arith.andi %get3A_167, %and3A_169 : vector<16xi32>
              %swap3A_171 = arith.constant 0 : index
              %swap3A_172 = tpu.vector_load %arg14[%swap3A_171] {strides = array<i32>} : memref<96xi32, #tpu.memory_space<vmem>>, vector<16xi32>,
              tpu.vector_store %arg14[%swap3A_171], %and3A_170 {strides = array<i32>} : memref<96xi32, #tpu.memory_space<vmem>>, vector<16xi32>,
              %shift_right_logical3A = arith.constant 17 : i32
              %shift_right_logical3A_173 = vector.broadcast %shift_right_logical3A : i32 to vector<16xi32>
              %shift_right_logical3A_174 = arith.shrui %get3A_167, %shift_right_logical3A_173 : vector<16xi32>
              %swap3A_175 = arith.constant 0 : index
              %swap3A_176 = tpu.vector_load %arg13[%swap3A_175] {strides = array<i32>} : memref<96xi32, #tpu.memory_space<vmem>>, vector<16xi32>,
              tpu.vector_store %arg13[%swap3A_175], %shift_right_logical3A_174 {strides = array<i32>} : memref<96xi32, #tpu.memory_space<vmem>>, vector<16xi32>,
              %mul3A_177 = arith.constant 96 : i32
              %mul3A_178 = arith.muli %add3A_161, %mul3A_177 : i32
              %add3A_179 = arith.constant 16 : i32
              %add3A_180 = arith.addi %mul3A_178, %add3A_179 : i32
              %get3A_181 = arith.index_cast %add3A_180 : i32 to index
              %get3A_182 = tpu.vector_load %arg9[%get3A_181] {strides = array<i32>} : memref<10144xi32, #tpu.memory_space<vmem>>, vector<16xi32>,
              %and3A_183 = arith.constant 131071 : i32
              %and3A_184 = vector.broadcast %and3A_183 : i32 to vector<16xi32>
              %and3A_185 = arith.andi %get3A_182, %and3A_184 : vector<16xi32>
              %swap3A_186 = arith.constant 16 : index
              %swap3A_187 = tpu.vector_load %arg14[%swap3A_186] {strides = array<i32>} : memref<96xi32, #tpu.memory_space<vmem>>, vector<16xi32>,
              tpu.vector_store %arg14[%swap3A_186], %and3A_185 {strides = array<i32>} : memref<96xi32, #tpu.memory_space<vmem>>, vector<16xi32>,
              %shift_right_logical3A_188 = arith.constant 17 : i32
              %shift_right_logical3A_189 = vector.broadcast %shift_right_logical3A_188 : i32 to vector<16xi32>
              %shift_right_logical3A_190 = arith.shrui %get3A_182, %shift_right_logical3A_189 : vector<16xi32>
              %swap3A_191 = arith.constant 16 : index
              %swap3A_192 = tpu.vector_load %arg13[%swap3A_191] {strides = array<i32>} : memref<96xi32, #tpu.memory_space<vmem>>, vector<16xi32>,
              tpu.vector_store %arg13[%swap3A_191], %shift_right_logical3A_190 {strides = array<i32>} : memref<96xi32, #tpu.memory_space<vmem>>, vector<16xi32>,
              %mul3A_193 = arith.constant 96 : i32
              %mul3A_194 = arith.muli %add3A_161, %mul3A_193 : i32
              %add3A_195 = arith.constant 32 : i32
              %add3A_196 = arith.addi %mul3A_194, %add3A_195 : i32
              %get3A_197 = arith.index_cast %add3A_196 : i32 to index
              %get3A_198 = tpu.vector_load %arg9[%get3A_197] {strides = array<i32>} : memref<10144xi32, #tpu.memory_space<vmem>>, vector<16xi32>,
              %and3A_199 = arith.constant 131071 : i32
              %and3A_200 = vector.broadcast %and3A_199 : i32 to vector<16xi32>
              %and3A_201 = arith.andi %get3A_198, %and3A_200 : vector<16xi32>
              %swap3A_202 = arith.constant 32 : index
              %swap3A_203 = tpu.vector_load %arg14[%swap3A_202] {strides = array<i32>} : memref<96xi32, #tpu.memory_space<vmem>>, vector<16xi32>,
              tpu.vector_store %arg14[%swap3A_202], %and3A_201 {strides = array<i32>} : memref<96xi32, #tpu.memory_space<vmem>>, vector<16xi32>,
              %shift_right_logical3A_204 = arith.constant 17 : i32
              %shift_right_logical3A_205 = vector.broadcast %shift_right_logical3A_204 : i32 to vector<16xi32>
              %shift_right_logical3A_206 = arith.shrui %get3A_198, %shift_right_logical3A_205 : vector<16xi32>
              %swap3A_207 = arith.constant 32 : index
              %swap3A_208 = tpu.vector_load %arg13[%swap3A_207] {strides = array<i32>} : memref<96xi32, #tpu.memory_space<vmem>>, vector<16xi32>,
              tpu.vector_store %arg13[%swap3A_207], %shift_right_logical3A_206 {strides = array<i32>} : memref<96xi32, #tpu.memory_space<vmem>>, vector<16xi32>,
              %mul3A_209 = arith.constant 96 : i32
              %mul3A_210 = arith.muli %add3A_161, %mul3A_209 : i32
              %add3A_211 = arith.constant 48 : i32
              %add3A_212 = arith.addi %mul3A_210, %add3A_211 : i32
              %get3A_213 = arith.index_cast %add3A_212 : i32 to index
              %get3A_214 = tpu.vector_load %arg9[%get3A_213] {strides = array<i32>} : memref<10144xi32, #tpu.memory_space<vmem>>, vector<16xi32>,
              %and3A_215 = arith.constant 131071 : i32
              %and3A_216 = vector.broadcast %and3A_215 : i32 to vector<16xi32>
              %and3A_217 = arith.andi %get3A_214, %and3A_216 : vector<16xi32>
              %swap3A_218 = arith.constant 48 : index
              %swap3A_219 = tpu.vector_load %arg14[%swap3A_218] {strides = array<i32>} : memref<96xi32, #tpu.memory_space<vmem>>, vector<16xi32>,
              tpu.vector_store %arg14[%swap3A_218], %and3A_217 {strides = array<i32>} : memref<96xi32, #tpu.memory_space<vmem>>, vector<16xi32>,
              %shift_right_logical3A_220 = arith.constant 17 : i32
              %shift_right_logical3A_221 = vector.broadcast %shift_right_logical3A_220 : i32 to vector<16xi32>
              %shift_right_logical3A_222 = arith.shrui %get3A_214, %shift_right_logical3A_221 : vector<16xi32>
              %swap3A_223 = arith.constant 48 : index
              %swap3A_224 = tpu.vector_load %arg13[%swap3A_223] {strides = array<i32>} : memref<96xi32, #tpu.memory_space<vmem>>, vector<16xi32>,
              tpu.vector_store %arg13[%swap3A_223], %shift_right_logical3A_222 {strides = array<i32>} : memref<96xi32, #tpu.memory_space<vmem>>, vector<16xi32>,
              %mul3A_225 = arith.constant 96 : i32
              %mul3A_226 = arith.muli %add3A_161, %mul3A_225 : i32
              %add3A_227 = arith.constant 64 : i32
              %add3A_228 = arith.addi %mul3A_226, %add3A_227 : i32
              %get3A_229 = arith.index_cast %add3A_228 : i32 to index
              %get3A_230 = tpu.vector_load %arg9[%get3A_229] {strides = array<i32>} : memref<10144xi32, #tpu.memory_space<vmem>>, vector<16xi32>,
              %and3A_231 = arith.constant 131071 : i32
              %and3A_232 = vector.broadcast %and3A_231 : i32 to vector<16xi32>
              %and3A_233 = arith.andi %get3A_230, %and3A_232 : vector<16xi32>
              %swap3A_234 = arith.constant 64 : index
              %swap3A_235 = tpu.vector_load %arg14[%swap3A_234] {strides = array<i32>} : memref<96xi32, #tpu.memory_space<vmem>>, vector<16xi32>,
              tpu.vector_store %arg14[%swap3A_234], %and3A_233 {strides = array<i32>} : memref<96xi32, #tpu.memory_space<vmem>>, vector<16xi32>,
              %shift_right_logical3A_236 = arith.constant 17 : i32
              %shift_right_logical3A_237 = vector.broadcast %shift_right_logical3A_236 : i32 to vector<16xi32>
              %shift_right_logical3A_238 = arith.shrui %get3A_230, %shift_right_logical3A_237 : vector<16xi32>
              %swap3A_239 = arith.constant 64 : index
              %swap3A_240 = tpu.vector_load %arg13[%swap3A_239] {strides = array<i32>} : memref<96xi32, #tpu.memory_space<vmem>>, vector<16xi32>,
              tpu.vector_store %arg13[%swap3A_239], %shift_right_logical3A_238 {strides = array<i32>} : memref<96xi32, #tpu.memory_space<vmem>>, vector<16xi32>,
              %mul3A_241 = arith.constant 96 : i32
              %mul3A_242 = arith.muli %add3A_161, %mul3A_241 : i32
              %add3A_243 = arith.constant 80 : i32
              %add3A_244 = arith.addi %mul3A_242, %add3A_243 : i32
              %get3A_245 = arith.index_cast %add3A_244 : i32 to index
              %get3A_246 = tpu.vector_load %arg9[%get3A_245] {strides = array<i32>} : memref<10144xi32, #tpu.memory_space<vmem>>, vector<16xi32>,
              %and3A_247 = arith.constant 131071 : i32
              %and3A_248 = vector.broadcast %and3A_247 : i32 to vector<16xi32>
              %and3A_249 = arith.andi %get3A_246, %and3A_248 : vector<16xi32>
              %swap3A_250 = arith.constant 80 : index
              %swap3A_251 = tpu.vector_load %arg14[%swap3A_250] {strides = array<i32>} : memref<96xi32, #tpu.memory_space<vmem>>, vector<16xi32>,
              tpu.vector_store %arg14[%swap3A_250], %and3A_249 {strides = array<i32>} : memref<96xi32, #tpu.memory_space<vmem>>, vector<16xi32>,
              %shift_right_logical3A_252 = arith.constant 17 : i32
              %shift_right_logical3A_253 = vector.broadcast %shift_right_logical3A_252 : i32 to vector<16xi32>
              %shift_right_logical3A_254 = arith.shrui %get3A_246, %shift_right_logical3A_253 : vector<16xi32>
              %swap3A_255 = arith.constant 80 : index
              %swap3A_256 = tpu.vector_load %arg13[%swap3A_255] {strides = array<i32>} : memref<96xi32, #tpu.memory_space<vmem>>, vector<16xi32>,
              tpu.vector_store %arg13[%swap3A_255], %shift_right_logical3A_254 {strides = array<i32>} : memref<96xi32, #tpu.memory_space<vmem>>, vector<16xi32>,
              %dma_start3A = arith.constant 0 : i32
              %dma_start3A_257 = arith.constant 0 : i32
              %dma_start3A_258 = tpu.memref_slice %arg2[%dma_start3A, %dma_start3A_257] : memref<100000x128xf32, #tpu.memory_space<hbm>> -> memref<100000x128xf32, #tpu.memory_space<hbm>>
              tpu.enqueue_indirect_dma source(%dma_start3A_258 : memref<100000x128xf32, #tpu.memory_space<hbm>>) target(%arg15 : memref<96x128xf32, #tpu.memory_space<vmem>>) offsets(%arg14 : memref<96xi32, #tpu.memory_space<vmem>>) semaphore(%arg17 : memref<!tpu.dma_semaphore, #tpu.memory_space<semaphore_mem>>)
            } else {
            }
            "tpu.region"() ({
              %run_scoped3A = tpu.sem_alloc : memref<!tpu.dma_semaphore, #tpu.memory_space<semaphore_mem>>
              %dma_start3A = arith.constant 0 : i32
              %dma_start3A_160 = arith.constant 0 : i32
              %dma_start3A_161 = tpu.memref_slice %arg18[%dma_start3A, %dma_start3A_160] : memref<8456x128xf32, #tpu.memory_space<vmem_shared>> -> memref<8456x128xf32, #tpu.memory_space<vmem_shared>>
              tpu.enqueue_indirect_dma source(%arg12 : memref<96x128xf32, #tpu.memory_space<vmem>>) target(%dma_start3A_161 : memref<8456x128xf32, #tpu.memory_space<vmem_shared>>) offsets(%arg10 : memref<96xi32, #tpu.memory_space<vmem>>) semaphore(%run_scoped3A : memref<!tpu.dma_semaphore, #tpu.memory_space<semaphore_mem>>) {add = true}
              %dma_wait3A_162 = arith.constant 0 : i32
              %dma_wait3A_163 = arith.constant 0 : i32
              %dma_wait3A_164 = tpu.memref_slice %arg18[%dma_wait3A_162, %dma_wait3A_163] : memref<8456x128xf32, #tpu.memory_space<vmem_shared>> -> memref<8456x128xf32, #tpu.memory_space<vmem_shared>>
              tpu.wait_indirect_dma semaphore(%run_scoped3A : memref<!tpu.dma_semaphore, #tpu.memory_space<semaphore_mem>>) src(%arg12 : memref<96x128xf32, #tpu.memory_space<vmem>>) dst(%dma_wait3A_164 : memref<8456x128xf32, #tpu.memory_space<vmem_shared>>)
              tpu.yield
            }) : () -> ()
          } else {
          }
          %rem3A_144 = arith.constant 2 : i32
          %rem3A_145 = arith.remsi %while3A_136, %rem3A_144 : i32
          %eq3A_146 = arith.constant 1 : i32
          %eq3A_147 = arith.cmpi eq, %rem3A_145, %eq3A_146 : i32
          %convert_element_type3A_148 = arith.extui %eq3A_147 : i1 to i32
          %cond3A_149 = arith.constant 0 : i32
          %cond3A_150 = arith.cmpi ne, %convert_element_type3A_148, %cond3A_149 : i32
          scf.if %cond3A_150 {
            %dma_wait3A = arith.constant 0 : i32
            %dma_wait3A_152 = arith.constant 0 : i32
            %dma_wait3A_153 = tpu.memref_slice %arg2[%dma_wait3A, %dma_wait3A_152] : memref<100000x128xf32, #tpu.memory_space<hbm>> -> memref<100000x128xf32, #tpu.memory_space<hbm>>
            tpu.wait_indirect_dma semaphore(%arg17 : memref<!tpu.dma_semaphore, #tpu.memory_space<semaphore_mem>>) src(%dma_wait3A_153 : memref<100000x128xf32, #tpu.memory_space<hbm>>) dst(%arg15 : memref<96x128xf32, #tpu.memory_space<vmem>>)
            %add3A_154 = arith.constant 1 : i32
            %add3A_155 = arith.addi %while3A_136, %add3A_154 : i32
            %lt3A_156 = arith.cmpi slt, %add3A_155, %select_n3A_120 : i32
            %convert_element_type3A_157 = arith.extui %lt3A_156 : i1 to i32
            %cond3A_158 = arith.constant 0 : i32
            %cond3A_159 = arith.cmpi ne, %convert_element_type3A_157, %cond3A_158 : i32
            scf.if %cond3A_159 {
              %add3A_160 = arith.constant 1 : i32
              %add3A_161 = arith.addi %while3A_136, %add3A_160 : i32
              %mul3A_162 = arith.constant 96 : i32
              %mul3A_163 = arith.muli %add3A_161, %mul3A_162 : i32
              %add3A_164 = arith.constant 0 : i32
              %add3A_165 = arith.addi %mul3A_163, %add3A_164 : i32
              %get3A_166 = arith.index_cast %add3A_165 : i32 to index
              %get3A_167 = tpu.vector_load %arg9[%get3A_166] {strides = array<i32>} : memref<10144xi32, #tpu.memory_space<vmem>>, vector<16xi32>,
              %and3A_168 = arith.constant 131071 : i32
              %and3A_169 = vector.broadcast %and3A_168 : i32 to vector<16xi32>
              %and3A_170 = arith.andi %get3A_167, %and3A_169 : vector<16xi32>
              %swap3A_171 = arith.constant 0 : index
              %swap3A_172 = tpu.vector_load %arg11[%swap3A_171] {strides = array<i32>} : memref<96xi32, #tpu.memory_space<vmem>>, vector<16xi32>,
              tpu.vector_store %arg11[%swap3A_171], %and3A_170 {strides = array<i32>} : memref<96xi32, #tpu.memory_space<vmem>>, vector<16xi32>,
              %shift_right_logical3A = arith.constant 17 : i32
              %shift_right_logical3A_173 = vector.broadcast %shift_right_logical3A : i32 to vector<16xi32>
              %shift_right_logical3A_174 = arith.shrui %get3A_167, %shift_right_logical3A_173 : vector<16xi32>
              %swap3A_175 = arith.constant 0 : index
              %swap3A_176 = tpu.vector_load %arg10[%swap3A_175] {strides = array<i32>} : memref<96xi32, #tpu.memory_space<vmem>>, vector<16xi32>,
              tpu.vector_store %arg10[%swap3A_175], %shift_right_logical3A_174 {strides = array<i32>} : memref<96xi32, #tpu.memory_space<vmem>>, vector<16xi32>,
              %mul3A_177 = arith.constant 96 : i32
              %mul3A_178 = arith.muli %add3A_161, %mul3A_177 : i32
              %add3A_179 = arith.constant 16 : i32
              %add3A_180 = arith.addi %mul3A_178, %add3A_179 : i32
              %get3A_181 = arith.index_cast %add3A_180 : i32 to index
              %get3A_182 = tpu.vector_load %arg9[%get3A_181] {strides = array<i32>} : memref<10144xi32, #tpu.memory_space<vmem>>, vector<16xi32>,
              %and3A_183 = arith.constant 131071 : i32
              %and3A_184 = vector.broadcast %and3A_183 : i32 to vector<16xi32>
              %and3A_185 = arith.andi %get3A_182, %and3A_184 : vector<16xi32>
              %swap3A_186 = arith.constant 16 : index
              %swap3A_187 = tpu.vector_load %arg11[%swap3A_186] {strides = array<i32>} : memref<96xi32, #tpu.memory_space<vmem>>, vector<16xi32>,
              tpu.vector_store %arg11[%swap3A_186], %and3A_185 {strides = array<i32>} : memref<96xi32, #tpu.memory_space<vmem>>, vector<16xi32>,
              %shift_right_logical3A_188 = arith.constant 17 : i32
              %shift_right_logical3A_189 = vector.broadcast %shift_right_logical3A_188 : i32 to vector<16xi32>
              %shift_right_logical3A_190 = arith.shrui %get3A_182, %shift_right_logical3A_189 : vector<16xi32>
              %swap3A_191 = arith.constant 16 : index
              %swap3A_192 = tpu.vector_load %arg10[%swap3A_191] {strides = array<i32>} : memref<96xi32, #tpu.memory_space<vmem>>, vector<16xi32>,
              tpu.vector_store %arg10[%swap3A_191], %shift_right_logical3A_190 {strides = array<i32>} : memref<96xi32, #tpu.memory_space<vmem>>, vector<16xi32>,
              %mul3A_193 = arith.constant 96 : i32
              %mul3A_194 = arith.muli %add3A_161, %mul3A_193 : i32
              %add3A_195 = arith.constant 32 : i32
              %add3A_196 = arith.addi %mul3A_194, %add3A_195 : i32
              %get3A_197 = arith.index_cast %add3A_196 : i32 to index
              %get3A_198 = tpu.vector_load %arg9[%get3A_197] {strides = array<i32>} : memref<10144xi32, #tpu.memory_space<vmem>>, vector<16xi32>,
              %and3A_199 = arith.constant 131071 : i32
              %and3A_200 = vector.broadcast %and3A_199 : i32 to vector<16xi32>
              %and3A_201 = arith.andi %get3A_198, %and3A_200 : vector<16xi32>
              %swap3A_202 = arith.constant 32 : index
              %swap3A_203 = tpu.vector_load %arg11[%swap3A_202] {strides = array<i32>} : memref<96xi32, #tpu.memory_space<vmem>>, vector<16xi32>,
              tpu.vector_store %arg11[%swap3A_202], %and3A_201 {strides = array<i32>} : memref<96xi32, #tpu.memory_space<vmem>>, vector<16xi32>,
              %shift_right_logical3A_204 = arith.constant 17 : i32
              %shift_right_logical3A_205 = vector.broadcast %shift_right_logical3A_204 : i32 to vector<16xi32>
              %shift_right_logical3A_206 = arith.shrui %get3A_198, %shift_right_logical3A_205 : vector<16xi32>
              %swap3A_207 = arith.constant 32 : index
              %swap3A_208 = tpu.vector_load %arg10[%swap3A_207] {strides = array<i32>} : memref<96xi32, #tpu.memory_space<vmem>>, vector<16xi32>,
              tpu.vector_store %arg10[%swap3A_207], %shift_right_logical3A_206 {strides = array<i32>} : memref<96xi32, #tpu.memory_space<vmem>>, vector<16xi32>,
              %mul3A_209 = arith.constant 96 : i32
              %mul3A_210 = arith.muli %add3A_161, %mul3A_209 : i32
              %add3A_211 = arith.constant 48 : i32
              %add3A_212 = arith.addi %mul3A_210, %add3A_211 : i32
              %get3A_213 = arith.index_cast %add3A_212 : i32 to index
              %get3A_214 = tpu.vector_load %arg9[%get3A_213] {strides = array<i32>} : memref<10144xi32, #tpu.memory_space<vmem>>, vector<16xi32>,
              %and3A_215 = arith.constant 131071 : i32
              %and3A_216 = vector.broadcast %and3A_215 : i32 to vector<16xi32>
              %and3A_217 = arith.andi %get3A_214, %and3A_216 : vector<16xi32>
              %swap3A_218 = arith.constant 48 : index
              %swap3A_219 = tpu.vector_load %arg11[%swap3A_218] {strides = array<i32>} : memref<96xi32, #tpu.memory_space<vmem>>, vector<16xi32>,
              tpu.vector_store %arg11[%swap3A_218], %and3A_217 {strides = array<i32>} : memref<96xi32, #tpu.memory_space<vmem>>, vector<16xi32>,
              %shift_right_logical3A_220 = arith.constant 17 : i32
              %shift_right_logical3A_221 = vector.broadcast %shift_right_logical3A_220 : i32 to vector<16xi32>
              %shift_right_logical3A_222 = arith.shrui %get3A_214, %shift_right_logical3A_221 : vector<16xi32>
              %swap3A_223 = arith.constant 48 : index
              %swap3A_224 = tpu.vector_load %arg10[%swap3A_223] {strides = array<i32>} : memref<96xi32, #tpu.memory_space<vmem>>, vector<16xi32>,
              tpu.vector_store %arg10[%swap3A_223], %shift_right_logical3A_222 {strides = array<i32>} : memref<96xi32, #tpu.memory_space<vmem>>, vector<16xi32>,
              %mul3A_225 = arith.constant 96 : i32
              %mul3A_226 = arith.muli %add3A_161, %mul3A_225 : i32
              %add3A_227 = arith.constant 64 : i32
              %add3A_228 = arith.addi %mul3A_226, %add3A_227 : i32
              %get3A_229 = arith.index_cast %add3A_228 : i32 to index
              %get3A_230 = tpu.vector_load %arg9[%get3A_229] {strides = array<i32>} : memref<10144xi32, #tpu.memory_space<vmem>>, vector<16xi32>,
              %and3A_231 = arith.constant 131071 : i32
              %and3A_232 = vector.broadcast %and3A_231 : i32 to vector<16xi32>
              %and3A_233 = arith.andi %get3A_230, %and3A_232 : vector<16xi32>
              %swap3A_234 = arith.constant 64 : index
              %swap3A_235 = tpu.vector_load %arg11[%swap3A_234] {strides = array<i32>} : memref<96xi32, #tpu.memory_space<vmem>>, vector<16xi32>,
              tpu.vector_store %arg11[%swap3A_234], %and3A_233 {strides = array<i32>} : memref<96xi32, #tpu.memory_space<vmem>>, vector<16xi32>,
              %shift_right_logical3A_236 = arith.constant 17 : i32
              %shift_right_logical3A_237 = vector.broadcast %shift_right_logical3A_236 : i32 to vector<16xi32>
              %shift_right_logical3A_238 = arith.shrui %get3A_230, %shift_right_logical3A_237 : vector<16xi32>
              %swap3A_239 = arith.constant 64 : index
              %swap3A_240 = tpu.vector_load %arg10[%swap3A_239] {strides = array<i32>} : memref<96xi32, #tpu.memory_space<vmem>>, vector<16xi32>,
              tpu.vector_store %arg10[%swap3A_239], %shift_right_logical3A_238 {strides = array<i32>} : memref<96xi32, #tpu.memory_space<vmem>>, vector<16xi32>,
              %mul3A_241 = arith.constant 96 : i32
              %mul3A_242 = arith.muli %add3A_161, %mul3A_241 : i32
              %add3A_243 = arith.constant 80 : i32
              %add3A_244 = arith.addi %mul3A_242, %add3A_243 : i32
              %get3A_245 = arith.index_cast %add3A_244 : i32 to index
              %get3A_246 = tpu.vector_load %arg9[%get3A_245] {strides = array<i32>} : memref<10144xi32, #tpu.memory_space<vmem>>, vector<16xi32>,
              %and3A_247 = arith.constant 131071 : i32
              %and3A_248 = vector.broadcast %and3A_247 : i32 to vector<16xi32>
              %and3A_249 = arith.andi %get3A_246, %and3A_248 : vector<16xi32>
              %swap3A_250 = arith.constant 80 : index
              %swap3A_251 = tpu.vector_load %arg11[%swap3A_250] {strides = array<i32>} : memref<96xi32, #tpu.memory_space<vmem>>, vector<16xi32>,
              tpu.vector_store %arg11[%swap3A_250], %and3A_249 {strides = array<i32>} : memref<96xi32, #tpu.memory_space<vmem>>, vector<16xi32>,
              %shift_right_logical3A_252 = arith.constant 17 : i32
              %shift_right_logical3A_253 = vector.broadcast %shift_right_logical3A_252 : i32 to vector<16xi32>
              %shift_right_logical3A_254 = arith.shrui %get3A_246, %shift_right_logical3A_253 : vector<16xi32>
              %swap3A_255 = arith.constant 80 : index
              %swap3A_256 = tpu.vector_load %arg10[%swap3A_255] {strides = array<i32>} : memref<96xi32, #tpu.memory_space<vmem>>, vector<16xi32>,
              tpu.vector_store %arg10[%swap3A_255], %shift_right_logical3A_254 {strides = array<i32>} : memref<96xi32, #tpu.memory_space<vmem>>, vector<16xi32>,
              %dma_start3A = arith.constant 0 : i32
              %dma_start3A_257 = arith.constant 0 : i32
              %dma_start3A_258 = tpu.memref_slice %arg2[%dma_start3A, %dma_start3A_257] : memref<100000x128xf32, #tpu.memory_space<hbm>> -> memref<100000x128xf32, #tpu.memory_space<hbm>>
              tpu.enqueue_indirect_dma source(%dma_start3A_258 : memref<100000x128xf32, #tpu.memory_space<hbm>>) target(%arg12 : memref<96x128xf32, #tpu.memory_space<vmem>>) offsets(%arg11 : memref<96xi32, #tpu.memory_space<vmem>>) semaphore(%arg16 : memref<!tpu.dma_semaphore, #tpu.memory_space<semaphore_mem>>)
            } else {
            }
            "tpu.region"() ({
              %run_scoped3A = tpu.sem_alloc : memref<!tpu.dma_semaphore, #tpu.memory_space<semaphore_mem>>
              %dma_start3A = arith.constant 0 : i32
              %dma_start3A_160 = arith.constant 0 : i32
              %dma_start3A_161 = tpu.memref_slice %arg18[%dma_start3A, %dma_start3A_160] : memref<8456x128xf32, #tpu.memory_space<vmem_shared>> -> memref<8456x128xf32, #tpu.memory_space<vmem_shared>>
              tpu.enqueue_indirect_dma source(%arg15 : memref<96x128xf32, #tpu.memory_space<vmem>>) target(%dma_start3A_161 : memref<8456x128xf32, #tpu.memory_space<vmem_shared>>) offsets(%arg13 : memref<96xi32, #tpu.memory_space<vmem>>) semaphore(%run_scoped3A : memref<!tpu.dma_semaphore, #tpu.memory_space<semaphore_mem>>) {add = true}
              %dma_wait3A_162 = arith.constant 0 : i32
              %dma_wait3A_163 = arith.constant 0 : i32
              %dma_wait3A_164 = tpu.memref_slice %arg18[%dma_wait3A_162, %dma_wait3A_163] : memref<8456x128xf32, #tpu.memory_space<vmem_shared>> -> memref<8456x128xf32, #tpu.memory_space<vmem_shared>>
              tpu.wait_indirect_dma semaphore(%run_scoped3A : memref<!tpu.dma_semaphore, #tpu.memory_space<semaphore_mem>>) src(%arg15 : memref<96x128xf32, #tpu.memory_space<vmem>>) dst(%dma_wait3A_164 : memref<8456x128xf32, #tpu.memory_space<vmem_shared>>)
              tpu.yield
            }) : () -> ()
          } else {
          }
          %while3A_151 = arith.constant 0 : i32
          scf.yield %while3A_151 : i32
        }
        %while3A_133 = arith.constant 1 : i32
        %while3A_134 = scf.for %while3A_136 = %while3A_130 to %while3A_126 step %while3A_133 iter_args(%while3A_137 = %while3A_132) -> (i32)  : i32 {
          %rem3A_138 = arith.constant 2 : i32
          %rem3A_139 = arith.remsi %while3A_136, %rem3A_138 : i32
          %eq3A = arith.constant 0 : i32
          %eq3A_140 = arith.cmpi eq, %rem3A_139, %eq3A : i32
          %convert_element_type3A_141 = arith.extui %eq3A_140 : i1 to i32
          %cond3A_142 = arith.constant 0 : i32
          %cond3A_143 = arith.cmpi ne, %convert_element_type3A_141, %cond3A_142 : i32
          scf.if %cond3A_143 {
            %dma_wait3A = arith.constant 0 : i32
            %dma_wait3A_152 = arith.constant 0 : i32
            %dma_wait3A_153 = tpu.memref_slice %arg2[%dma_wait3A, %dma_wait3A_152] : memref<100000x128xf32, #tpu.memory_space<hbm>> -> memref<100000x128xf32, #tpu.memory_space<hbm>>
            tpu.wait_indirect_dma semaphore(%arg16 : memref<!tpu.dma_semaphore, #tpu.memory_space<semaphore_mem>>) src(%dma_wait3A_153 : memref<100000x128xf32, #tpu.memory_space<hbm>>) dst(%arg12 : memref<96x128xf32, #tpu.memory_space<vmem>>)
            %add3A_154 = arith.constant 1 : i32
            %add3A_155 = arith.addi %while3A_136, %add3A_154 : i32
            %lt3A_156 = arith.cmpi slt, %add3A_155, %select_n3A_120 : i32
            %convert_element_type3A_157 = arith.extui %lt3A_156 : i1 to i32
            %cond3A_158 = arith.constant 0 : i32
            %cond3A_159 = arith.cmpi ne, %convert_element_type3A_157, %cond3A_158 : i32
            scf.if %cond3A_159 {
              %add3A_160 = arith.constant 1 : i32
              %add3A_161 = arith.addi %while3A_136, %add3A_160 : i32
              %mul3A_162 = arith.constant 96 : i32
              %mul3A_163 = arith.muli %add3A_161, %mul3A_162 : i32
              %add3A_164 = arith.constant 0 : i32
              %add3A_165 = arith.addi %mul3A_163, %add3A_164 : i32
              %get3A_166 = arith.index_cast %add3A_165 : i32 to index
              %get3A_167 = tpu.vector_load %arg9[%get3A_166] {strides = array<i32>} : memref<10144xi32, #tpu.memory_space<vmem>>, vector<16xi32>,
              %and3A_168 = arith.constant 131071 : i32
              %and3A_169 = vector.broadcast %and3A_168 : i32 to vector<16xi32>
              %and3A_170 = arith.andi %get3A_167, %and3A_169 : vector<16xi32>
              %swap3A_171 = arith.constant 0 : index
              %swap3A_172 = tpu.vector_load %arg14[%swap3A_171] {strides = array<i32>} : memref<96xi32, #tpu.memory_space<vmem>>, vector<16xi32>,
              tpu.vector_store %arg14[%swap3A_171], %and3A_170 {strides = array<i32>} : memref<96xi32, #tpu.memory_space<vmem>>, vector<16xi32>,
              %shift_right_logical3A = arith.constant 17 : i32
              %shift_right_logical3A_173 = vector.broadcast %shift_right_logical3A : i32 to vector<16xi32>
              %shift_right_logical3A_174 = arith.shrui %get3A_167, %shift_right_logical3A_173 : vector<16xi32>
              %swap3A_175 = arith.constant 0 : index
              %swap3A_176 = tpu.vector_load %arg13[%swap3A_175] {strides = array<i32>} : memref<96xi32, #tpu.memory_space<vmem>>, vector<16xi32>,
              tpu.vector_store %arg13[%swap3A_175], %shift_right_logical3A_174 {strides = array<i32>} : memref<96xi32, #tpu.memory_space<vmem>>, vector<16xi32>,
              %mul3A_177 = arith.constant 96 : i32
              %mul3A_178 = arith.muli %add3A_161, %mul3A_177 : i32
              %add3A_179 = arith.constant 16 : i32
              %add3A_180 = arith.addi %mul3A_178, %add3A_179 : i32
              %get3A_181 = arith.index_cast %add3A_180 : i32 to index
              %get3A_182 = tpu.vector_load %arg9[%get3A_181] {strides = array<i32>} : memref<10144xi32, #tpu.memory_space<vmem>>, vector<16xi32>,
              %and3A_183 = arith.constant 131071 : i32
              %and3A_184 = vector.broadcast %and3A_183 : i32 to vector<16xi32>
              %and3A_185 = arith.andi %get3A_182, %and3A_184 : vector<16xi32>
              %swap3A_186 = arith.constant 16 : index
              %swap3A_187 = tpu.vector_load %arg14[%swap3A_186] {strides = array<i32>} : memref<96xi32, #tpu.memory_space<vmem>>, vector<16xi32>,
              tpu.vector_store %arg14[%swap3A_186], %and3A_185 {strides = array<i32>} : memref<96xi32, #tpu.memory_space<vmem>>, vector<16xi32>,
              %shift_right_logical3A_188 = arith.constant 17 : i32
              %shift_right_logical3A_189 = vector.broadcast %shift_right_logical3A_188 : i32 to vector<16xi32>
              %shift_right_logical3A_190 = arith.shrui %get3A_182, %shift_right_logical3A_189 : vector<16xi32>
              %swap3A_191 = arith.constant 16 : index
              %swap3A_192 = tpu.vector_load %arg13[%swap3A_191] {strides = array<i32>} : memref<96xi32, #tpu.memory_space<vmem>>, vector<16xi32>,
              tpu.vector_store %arg13[%swap3A_191], %shift_right_logical3A_190 {strides = array<i32>} : memref<96xi32, #tpu.memory_space<vmem>>, vector<16xi32>,
              %mul3A_193 = arith.constant 96 : i32
              %mul3A_194 = arith.muli %add3A_161, %mul3A_193 : i32
              %add3A_195 = arith.constant 32 : i32
              %add3A_196 = arith.addi %mul3A_194, %add3A_195 : i32
              %get3A_197 = arith.index_cast %add3A_196 : i32 to index
              %get3A_198 = tpu.vector_load %arg9[%get3A_197] {strides = array<i32>} : memref<10144xi32, #tpu.memory_space<vmem>>, vector<16xi32>,
              %and3A_199 = arith.constant 131071 : i32
              %and3A_200 = vector.broadcast %and3A_199 : i32 to vector<16xi32>
              %and3A_201 = arith.andi %get3A_198, %and3A_200 : vector<16xi32>
              %swap3A_202 = arith.constant 32 : index
              %swap3A_203 = tpu.vector_load %arg14[%swap3A_202] {strides = array<i32>} : memref<96xi32, #tpu.memory_space<vmem>>, vector<16xi32>,
              tpu.vector_store %arg14[%swap3A_202], %and3A_201 {strides = array<i32>} : memref<96xi32, #tpu.memory_space<vmem>>, vector<16xi32>,
              %shift_right_logical3A_204 = arith.constant 17 : i32
              %shift_right_logical3A_205 = vector.broadcast %shift_right_logical3A_204 : i32 to vector<16xi32>
              %shift_right_logical3A_206 = arith.shrui %get3A_198, %shift_right_logical3A_205 : vector<16xi32>
              %swap3A_207 = arith.constant 32 : index
              %swap3A_208 = tpu.vector_load %arg13[%swap3A_207] {strides = array<i32>} : memref<96xi32, #tpu.memory_space<vmem>>, vector<16xi32>,
              tpu.vector_store %arg13[%swap3A_207], %shift_right_logical3A_206 {strides = array<i32>} : memref<96xi32, #tpu.memory_space<vmem>>, vector<16xi32>,
              %mul3A_209 = arith.constant 96 : i32
              %mul3A_210 = arith.muli %add3A_161, %mul3A_209 : i32
              %add3A_211 = arith.constant 48 : i32
              %add3A_212 = arith.addi %mul3A_210, %add3A_211 : i32
              %get3A_213 = arith.index_cast %add3A_212 : i32 to index
              %get3A_214 = tpu.vector_load %arg9[%get3A_213] {strides = array<i32>} : memref<10144xi32, #tpu.memory_space<vmem>>, vector<16xi32>,
              %and3A_215 = arith.constant 131071 : i32
              %and3A_216 = vector.broadcast %and3A_215 : i32 to vector<16xi32>
              %and3A_217 = arith.andi %get3A_214, %and3A_216 : vector<16xi32>
              %swap3A_218 = arith.constant 48 : index
              %swap3A_219 = tpu.vector_load %arg14[%swap3A_218] {strides = array<i32>} : memref<96xi32, #tpu.memory_space<vmem>>, vector<16xi32>,
              tpu.vector_store %arg14[%swap3A_218], %and3A_217 {strides = array<i32>} : memref<96xi32, #tpu.memory_space<vmem>>, vector<16xi32>,
              %shift_right_logical3A_220 = arith.constant 17 : i32
              %shift_right_logical3A_221 = vector.broadcast %shift_right_logical3A_220 : i32 to vector<16xi32>
              %shift_right_logical3A_222 = arith.shrui %get3A_214, %shift_right_logical3A_221 : vector<16xi32>
              %swap3A_223 = arith.constant 48 : index
              %swap3A_224 = tpu.vector_load %arg13[%swap3A_223] {strides = array<i32>} : memref<96xi32, #tpu.memory_space<vmem>>, vector<16xi32>,
              tpu.vector_store %arg13[%swap3A_223], %shift_right_logical3A_222 {strides = array<i32>} : memref<96xi32, #tpu.memory_space<vmem>>, vector<16xi32>,
              %mul3A_225 = arith.constant 96 : i32
              %mul3A_226 = arith.muli %add3A_161, %mul3A_225 : i32
              %add3A_227 = arith.constant 64 : i32
              %add3A_228 = arith.addi %mul3A_226, %add3A_227 : i32
              %get3A_229 = arith.index_cast %add3A_228 : i32 to index
              %get3A_230 = tpu.vector_load %arg9[%get3A_229] {strides = array<i32>} : memref<10144xi32, #tpu.memory_space<vmem>>, vector<16xi32>,
              %and3A_231 = arith.constant 131071 : i32
              %and3A_232 = vector.broadcast %and3A_231 : i32 to vector<16xi32>
              %and3A_233 = arith.andi %get3A_230, %and3A_232 : vector<16xi32>
              %swap3A_234 = arith.constant 64 : index
              %swap3A_235 = tpu.vector_load %arg14[%swap3A_234] {strides = array<i32>} : memref<96xi32, #tpu.memory_space<vmem>>, vector<16xi32>,
              tpu.vector_store %arg14[%swap3A_234], %and3A_233 {strides = array<i32>} : memref<96xi32, #tpu.memory_space<vmem>>, vector<16xi32>,
              %shift_right_logical3A_236 = arith.constant 17 : i32
              %shift_right_logical3A_237 = vector.broadcast %shift_right_logical3A_236 : i32 to vector<16xi32>
              %shift_right_logical3A_238 = arith.shrui %get3A_230, %shift_right_logical3A_237 : vector<16xi32>
              %swap3A_239 = arith.constant 64 : index
              %swap3A_240 = tpu.vector_load %arg13[%swap3A_239] {strides = array<i32>} : memref<96xi32, #tpu.memory_space<vmem>>, vector<16xi32>,
              tpu.vector_store %arg13[%swap3A_239], %shift_right_logical3A_238 {strides = array<i32>} : memref<96xi32, #tpu.memory_space<vmem>>, vector<16xi32>,
              %mul3A_241 = arith.constant 96 : i32
              %mul3A_242 = arith.muli %add3A_161, %mul3A_241 : i32
              %add3A_243 = arith.constant 80 : i32
              %add3A_244 = arith.addi %mul3A_242, %add3A_243 : i32
              %get3A_245 = arith.index_cast %add3A_244 : i32 to index
              %get3A_246 = tpu.vector_load %arg9[%get3A_245] {strides = array<i32>} : memref<10144xi32, #tpu.memory_space<vmem>>, vector<16xi32>,
              %and3A_247 = arith.constant 131071 : i32
              %and3A_248 = vector.broadcast %and3A_247 : i32 to vector<16xi32>
              %and3A_249 = arith.andi %get3A_246, %and3A_248 : vector<16xi32>
              %swap3A_250 = arith.constant 80 : index
              %swap3A_251 = tpu.vector_load %arg14[%swap3A_250] {strides = array<i32>} : memref<96xi32, #tpu.memory_space<vmem>>, vector<16xi32>,
              tpu.vector_store %arg14[%swap3A_250], %and3A_249 {strides = array<i32>} : memref<96xi32, #tpu.memory_space<vmem>>, vector<16xi32>,
              %shift_right_logical3A_252 = arith.constant 17 : i32
              %shift_right_logical3A_253 = vector.broadcast %shift_right_logical3A_252 : i32 to vector<16xi32>
              %shift_right_logical3A_254 = arith.shrui %get3A_246, %shift_right_logical3A_253 : vector<16xi32>
              %swap3A_255 = arith.constant 80 : index
              %swap3A_256 = tpu.vector_load %arg13[%swap3A_255] {strides = array<i32>} : memref<96xi32, #tpu.memory_space<vmem>>, vector<16xi32>,
              tpu.vector_store %arg13[%swap3A_255], %shift_right_logical3A_254 {strides = array<i32>} : memref<96xi32, #tpu.memory_space<vmem>>, vector<16xi32>,
              %dma_start3A = arith.constant 0 : i32
              %dma_start3A_257 = arith.constant 0 : i32
              %dma_start3A_258 = tpu.memref_slice %arg2[%dma_start3A, %dma_start3A_257] : memref<100000x128xf32, #tpu.memory_space<hbm>> -> memref<100000x128xf32, #tpu.memory_space<hbm>>
              tpu.enqueue_indirect_dma source(%dma_start3A_258 : memref<100000x128xf32, #tpu.memory_space<hbm>>) target(%arg15 : memref<96x128xf32, #tpu.memory_space<vmem>>) offsets(%arg14 : memref<96xi32, #tpu.memory_space<vmem>>) semaphore(%arg17 : memref<!tpu.dma_semaphore, #tpu.memory_space<semaphore_mem>>)
            } else {
            }
            "tpu.region"() ({
              %run_scoped3A = tpu.sem_alloc : memref<!tpu.dma_semaphore, #tpu.memory_space<semaphore_mem>>
              %dma_start3A = arith.constant 0 : i32
              %dma_start3A_160 = arith.constant 0 : i32
              %dma_start3A_161 = tpu.memref_slice %arg18[%dma_start3A, %dma_start3A_160] : memref<8456x128xf32, #tpu.memory_space<vmem_shared>> -> memref<8456x128xf32, #tpu.memory_space<vmem_shared>>
              tpu.enqueue_indirect_dma source(%arg12 : memref<96x128xf32, #tpu.memory_space<vmem>>) target(%dma_start3A_161 : memref<8456x128xf32, #tpu.memory_space<vmem_shared>>) offsets(%arg10 : memref<96xi32, #tpu.memory_space<vmem>>) semaphore(%run_scoped3A : memref<!tpu.dma_semaphore, #tpu.memory_space<semaphore_mem>>) {add = true}
              %dma_wait3A_162 = arith.constant 0 : i32
              %dma_wait3A_163 = arith.constant 0 : i32
              %dma_wait3A_164 = tpu.memref_slice %arg18[%dma_wait3A_162, %dma_wait3A_163] : memref<8456x128xf32, #tpu.memory_space<vmem_shared>> -> memref<8456x128xf32, #tpu.memory_space<vmem_shared>>
              tpu.wait_indirect_dma semaphore(%run_scoped3A : memref<!tpu.dma_semaphore, #tpu.memory_space<semaphore_mem>>) src(%arg12 : memref<96x128xf32, #tpu.memory_space<vmem>>) dst(%dma_wait3A_164 : memref<8456x128xf32, #tpu.memory_space<vmem_shared>>)
              tpu.yield
            }) : () -> ()
          } else {
          }
          %rem3A_144 = arith.constant 2 : i32
          %rem3A_145 = arith.remsi %while3A_136, %rem3A_144 : i32
          %eq3A_146 = arith.constant 1 : i32
          %eq3A_147 = arith.cmpi eq, %rem3A_145, %eq3A_146 : i32
          %convert_element_type3A_148 = arith.extui %eq3A_147 : i1 to i32
          %cond3A_149 = arith.constant 0 : i32
          %cond3A_150 = arith.cmpi ne, %convert_element_type3A_148, %cond3A_149 : i32
          scf.if %cond3A_150 {
            %dma_wait3A = arith.constant 0 : i32
            %dma_wait3A_152 = arith.constant 0 : i32
            %dma_wait3A_153 = tpu.memref_slice %arg2[%dma_wait3A, %dma_wait3A_152] : memref<100000x128xf32, #tpu.memory_space<hbm>> -> memref<100000x128xf32, #tpu.memory_space<hbm>>
            tpu.wait_indirect_dma semaphore(%arg17 : memref<!tpu.dma_semaphore, #tpu.memory_space<semaphore_mem>>) src(%dma_wait3A_153 : memref<100000x128xf32, #tpu.memory_space<hbm>>) dst(%arg15 : memref<96x128xf32, #tpu.memory_space<vmem>>)
            %add3A_154 = arith.constant 1 : i32
            %add3A_155 = arith.addi %while3A_136, %add3A_154 : i32
            %lt3A_156 = arith.cmpi slt, %add3A_155, %select_n3A_120 : i32
            %convert_element_type3A_157 = arith.extui %lt3A_156 : i1 to i32
            %cond3A_158 = arith.constant 0 : i32
            %cond3A_159 = arith.cmpi ne, %convert_element_type3A_157, %cond3A_158 : i32
            scf.if %cond3A_159 {
              %add3A_160 = arith.constant 1 : i32
              %add3A_161 = arith.addi %while3A_136, %add3A_160 : i32
              %mul3A_162 = arith.constant 96 : i32
              %mul3A_163 = arith.muli %add3A_161, %mul3A_162 : i32
              %add3A_164 = arith.constant 0 : i32
              %add3A_165 = arith.addi %mul3A_163, %add3A_164 : i32
              %get3A_166 = arith.index_cast %add3A_165 : i32 to index
              %get3A_167 = tpu.vector_load %arg9[%get3A_166] {strides = array<i32>} : memref<10144xi32, #tpu.memory_space<vmem>>, vector<16xi32>,
              %and3A_168 = arith.constant 131071 : i32
              %and3A_169 = vector.broadcast %and3A_168 : i32 to vector<16xi32>
              %and3A_170 = arith.andi %get3A_167, %and3A_169 : vector<16xi32>
              %swap3A_171 = arith.constant 0 : index
              %swap3A_172 = tpu.vector_load %arg11[%swap3A_171] {strides = array<i32>} : memref<96xi32, #tpu.memory_space<vmem>>, vector<16xi32>,
              tpu.vector_store %arg11[%swap3A_171], %and3A_170 {strides = array<i32>} : memref<96xi32, #tpu.memory_space<vmem>>, vector<16xi32>,
              %shift_right_logical3A = arith.constant 17 : i32
              %shift_right_logical3A_173 = vector.broadcast %shift_right_logical3A : i32 to vector<16xi32>
              %shift_right_logical3A_174 = arith.shrui %get3A_167, %shift_right_logical3A_173 : vector<16xi32>
              %swap3A_175 = arith.constant 0 : index
              %swap3A_176 = tpu.vector_load %arg10[%swap3A_175] {strides = array<i32>} : memref<96xi32, #tpu.memory_space<vmem>>, vector<16xi32>,
              tpu.vector_store %arg10[%swap3A_175], %shift_right_logical3A_174 {strides = array<i32>} : memref<96xi32, #tpu.memory_space<vmem>>, vector<16xi32>,
              %mul3A_177 = arith.constant 96 : i32
              %mul3A_178 = arith.muli %add3A_161, %mul3A_177 : i32
              %add3A_179 = arith.constant 16 : i32
              %add3A_180 = arith.addi %mul3A_178, %add3A_179 : i32
              %get3A_181 = arith.index_cast %add3A_180 : i32 to index
              %get3A_182 = tpu.vector_load %arg9[%get3A_181] {strides = array<i32>} : memref<10144xi32, #tpu.memory_space<vmem>>, vector<16xi32>,
              %and3A_183 = arith.constant 131071 : i32
              %and3A_184 = vector.broadcast %and3A_183 : i32 to vector<16xi32>
              %and3A_185 = arith.andi %get3A_182, %and3A_184 : vector<16xi32>
              %swap3A_186 = arith.constant 16 : index
              %swap3A_187 = tpu.vector_load %arg11[%swap3A_186] {strides = array<i32>} : memref<96xi32, #tpu.memory_space<vmem>>, vector<16xi32>,
              tpu.vector_store %arg11[%swap3A_186], %and3A_185 {strides = array<i32>} : memref<96xi32, #tpu.memory_space<vmem>>, vector<16xi32>,
              %shift_right_logical3A_188 = arith.constant 17 : i32
              %shift_right_logical3A_189 = vector.broadcast %shift_right_logical3A_188 : i32 to vector<16xi32>
              %shift_right_logical3A_190 = arith.shrui %get3A_182, %shift_right_logical3A_189 : vector<16xi32>
              %swap3A_191 = arith.constant 16 : index
              %swap3A_192 = tpu.vector_load %arg10[%swap3A_191] {strides = array<i32>} : memref<96xi32, #tpu.memory_space<vmem>>, vector<16xi32>,
              tpu.vector_store %arg10[%swap3A_191], %shift_right_logical3A_190 {strides = array<i32>} : memref<96xi32, #tpu.memory_space<vmem>>, vector<16xi32>,
              %mul3A_193 = arith.constant 96 : i32
              %mul3A_194 = arith.muli %add3A_161, %mul3A_193 : i32
              %add3A_195 = arith.constant 32 : i32
              %add3A_196 = arith.addi %mul3A_194, %add3A_195 : i32
              %get3A_197 = arith.index_cast %add3A_196 : i32 to index
              %get3A_198 = tpu.vector_load %arg9[%get3A_197] {strides = array<i32>} : memref<10144xi32, #tpu.memory_space<vmem>>, vector<16xi32>,
              %and3A_199 = arith.constant 131071 : i32
              %and3A_200 = vector.broadcast %and3A_199 : i32 to vector<16xi32>
              %and3A_201 = arith.andi %get3A_198, %and3A_200 : vector<16xi32>
              %swap3A_202 = arith.constant 32 : index
              %swap3A_203 = tpu.vector_load %arg11[%swap3A_202] {strides = array<i32>} : memref<96xi32, #tpu.memory_space<vmem>>, vector<16xi32>,
              tpu.vector_store %arg11[%swap3A_202], %and3A_201 {strides = array<i32>} : memref<96xi32, #tpu.memory_space<vmem>>, vector<16xi32>,
              %shift_right_logical3A_204 = arith.constant 17 : i32
              %shift_right_logical3A_205 = vector.broadcast %shift_right_logical3A_204 : i32 to vector<16xi32>
              %shift_right_logical3A_206 = arith.shrui %get3A_198, %shift_right_logical3A_205 : vector<16xi32>
              %swap3A_207 = arith.constant 32 : index
              %swap3A_208 = tpu.vector_load %arg10[%swap3A_207] {strides = array<i32>} : memref<96xi32, #tpu.memory_space<vmem>>, vector<16xi32>,
              tpu.vector_store %arg10[%swap3A_207], %shift_right_logical3A_206 {strides = array<i32>} : memref<96xi32, #tpu.memory_space<vmem>>, vector<16xi32>,
              %mul3A_209 = arith.constant 96 : i32
              %mul3A_210 = arith.muli %add3A_161, %mul3A_209 : i32
              %add3A_211 = arith.constant 48 : i32
              %add3A_212 = arith.addi %mul3A_210, %add3A_211 : i32
              %get3A_213 = arith.index_cast %add3A_212 : i32 to index
              %get3A_214 = tpu.vector_load %arg9[%get3A_213] {strides = array<i32>} : memref<10144xi32, #tpu.memory_space<vmem>>, vector<16xi32>,
              %and3A_215 = arith.constant 131071 : i32
              %and3A_216 = vector.broadcast %and3A_215 : i32 to vector<16xi32>
              %and3A_217 = arith.andi %get3A_214, %and3A_216 : vector<16xi32>
              %swap3A_218 = arith.constant 48 : index
              %swap3A_219 = tpu.vector_load %arg11[%swap3A_218] {strides = array<i32>} : memref<96xi32, #tpu.memory_space<vmem>>, vector<16xi32>,
              tpu.vector_store %arg11[%swap3A_218], %and3A_217 {strides = array<i32>} : memref<96xi32, #tpu.memory_space<vmem>>, vector<16xi32>,
              %shift_right_logical3A_220 = arith.constant 17 : i32
              %shift_right_logical3A_221 = vector.broadcast %shift_right_logical3A_220 : i32 to vector<16xi32>
              %shift_right_logical3A_222 = arith.shrui %get3A_214, %shift_right_logical3A_221 : vector<16xi32>
              %swap3A_223 = arith.constant 48 : index
              %swap3A_224 = tpu.vector_load %arg10[%swap3A_223] {strides = array<i32>} : memref<96xi32, #tpu.memory_space<vmem>>, vector<16xi32>,
              tpu.vector_store %arg10[%swap3A_223], %shift_right_logical3A_222 {strides = array<i32>} : memref<96xi32, #tpu.memory_space<vmem>>, vector<16xi32>,
              %mul3A_225 = arith.constant 96 : i32
              %mul3A_226 = arith.muli %add3A_161, %mul3A_225 : i32
              %add3A_227 = arith.constant 64 : i32
              %add3A_228 = arith.addi %mul3A_226, %add3A_227 : i32
              %get3A_229 = arith.index_cast %add3A_228 : i32 to index
              %get3A_230 = tpu.vector_load %arg9[%get3A_229] {strides = array<i32>} : memref<10144xi32, #tpu.memory_space<vmem>>, vector<16xi32>,
              %and3A_231 = arith.constant 131071 : i32
              %and3A_232 = vector.broadcast %and3A_231 : i32 to vector<16xi32>
              %and3A_233 = arith.andi %get3A_230, %and3A_232 : vector<16xi32>
              %swap3A_234 = arith.constant 64 : index
              %swap3A_235 = tpu.vector_load %arg11[%swap3A_234] {strides = array<i32>} : memref<96xi32, #tpu.memory_space<vmem>>, vector<16xi32>,
              tpu.vector_store %arg11[%swap3A_234], %and3A_233 {strides = array<i32>} : memref<96xi32, #tpu.memory_space<vmem>>, vector<16xi32>,
              %shift_right_logical3A_236 = arith.constant 17 : i32
              %shift_right_logical3A_237 = vector.broadcast %shift_right_logical3A_236 : i32 to vector<16xi32>
              %shift_right_logical3A_238 = arith.shrui %get3A_230, %shift_right_logical3A_237 : vector<16xi32>
              %swap3A_239 = arith.constant 64 : index
              %swap3A_240 = tpu.vector_load %arg10[%swap3A_239] {strides = array<i32>} : memref<96xi32, #tpu.memory_space<vmem>>, vector<16xi32>,
              tpu.vector_store %arg10[%swap3A_239], %shift_right_logical3A_238 {strides = array<i32>} : memref<96xi32, #tpu.memory_space<vmem>>, vector<16xi32>,
              %mul3A_241 = arith.constant 96 : i32
              %mul3A_242 = arith.muli %add3A_161, %mul3A_241 : i32
              %add3A_243 = arith.constant 80 : i32
              %add3A_244 = arith.addi %mul3A_242, %add3A_243 : i32
              %get3A_245 = arith.index_cast %add3A_244 : i32 to index
              %get3A_246 = tpu.vector_load %arg9[%get3A_245] {strides = array<i32>} : memref<10144xi32, #tpu.memory_space<vmem>>, vector<16xi32>,
              %and3A_247 = arith.constant 131071 : i32
              %and3A_248 = vector.broadcast %and3A_247 : i32 to vector<16xi32>
              %and3A_249 = arith.andi %get3A_246, %and3A_248 : vector<16xi32>
              %swap3A_250 = arith.constant 80 : index
              %swap3A_251 = tpu.vector_load %arg11[%swap3A_250] {strides = array<i32>} : memref<96xi32, #tpu.memory_space<vmem>>, vector<16xi32>,
              tpu.vector_store %arg11[%swap3A_250], %and3A_249 {strides = array<i32>} : memref<96xi32, #tpu.memory_space<vmem>>, vector<16xi32>,
              %shift_right_logical3A_252 = arith.constant 17 : i32
              %shift_right_logical3A_253 = vector.broadcast %shift_right_logical3A_252 : i32 to vector<16xi32>
              %shift_right_logical3A_254 = arith.shrui %get3A_246, %shift_right_logical3A_253 : vector<16xi32>
              %swap3A_255 = arith.constant 80 : index
              %swap3A_256 = tpu.vector_load %arg10[%swap3A_255] {strides = array<i32>} : memref<96xi32, #tpu.memory_space<vmem>>, vector<16xi32>,
              tpu.vector_store %arg10[%swap3A_255], %shift_right_logical3A_254 {strides = array<i32>} : memref<96xi32, #tpu.memory_space<vmem>>, vector<16xi32>,
              %dma_start3A = arith.constant 0 : i32
              %dma_start3A_257 = arith.constant 0 : i32
              %dma_start3A_258 = tpu.memref_slice %arg2[%dma_start3A, %dma_start3A_257] : memref<100000x128xf32, #tpu.memory_space<hbm>> -> memref<100000x128xf32, #tpu.memory_space<hbm>>
              tpu.enqueue_indirect_dma source(%dma_start3A_258 : memref<100000x128xf32, #tpu.memory_space<hbm>>) target(%arg12 : memref<96x128xf32, #tpu.memory_space<vmem>>) offsets(%arg11 : memref<96xi32, #tpu.memory_space<vmem>>) semaphore(%arg16 : memref<!tpu.dma_semaphore, #tpu.memory_space<semaphore_mem>>)
            } else {
            }
            "tpu.region"() ({
              %run_scoped3A = tpu.sem_alloc : memref<!tpu.dma_semaphore, #tpu.memory_space<semaphore_mem>>
              %dma_start3A = arith.constant 0 : i32
              %dma_start3A_160 = arith.constant 0 : i32
              %dma_start3A_161 = tpu.memref_slice %arg18[%dma_start3A, %dma_start3A_160] : memref<8456x128xf32, #tpu.memory_space<vmem_shared>> -> memref<8456x128xf32, #tpu.memory_space<vmem_shared>>
              tpu.enqueue_indirect_dma source(%arg15 : memref<96x128xf32, #tpu.memory_space<vmem>>) target(%dma_start3A_161 : memref<8456x128xf32, #tpu.memory_space<vmem_shared>>) offsets(%arg13 : memref<96xi32, #tpu.memory_space<vmem>>) semaphore(%run_scoped3A : memref<!tpu.dma_semaphore, #tpu.memory_space<semaphore_mem>>) {add = true}
              %dma_wait3A_162 = arith.constant 0 : i32
              %dma_wait3A_163 = arith.constant 0 : i32
              %dma_wait3A_164 = tpu.memref_slice %arg18[%dma_wait3A_162, %dma_wait3A_163] : memref<8456x128xf32, #tpu.memory_space<vmem_shared>> -> memref<8456x128xf32, #tpu.memory_space<vmem_shared>>
              tpu.wait_indirect_dma semaphore(%run_scoped3A : memref<!tpu.dma_semaphore, #tpu.memory_space<semaphore_mem>>) src(%arg15 : memref<96x128xf32, #tpu.memory_space<vmem>>) dst(%dma_wait3A_164 : memref<8456x128xf32, #tpu.memory_space<vmem_shared>>)
              tpu.yield
            }) : () -> ()
          } else {
          }
          %while3A_151 = arith.constant 0 : i32
          scf.yield %while3A_151 : i32
        }
        %scan3A_135 = arith.constant 0 : i32
        scf.yield %scan3A_135 : i32
      }
      %scan3A_22 = arith.constant 10 : i32
      %barrier3A_23 = arith.constant 0 : index
      tpu.barrier barrier_id(%barrier3A_23)
      %mul3A_24 = arith.constant 528 : i32
      %mul3A_25 = arith.muli %arg1, %mul3A_24 : i32
      %mul3A_26 = arith.constant 528 : i32
      %mul3A_27 = arith.muli %arg1, %mul3A_26 : i32
      %add3A_28 = arith.addi %mul3A_13, %mul3A_27 : i32
      "tpu.region"() ({
        %run_scoped3A = tpu.sem_alloc : memref<!tpu.dma_semaphore, #tpu.memory_space<semaphore_mem>>
        %dma_start3A = arith.constant 0 : i32
        %dma_start3A_30 = tpu.memref_slice %arg6[%add3A_28, %dma_start3A] : memref<101376x128xf32, #tpu.memory_space<hbm>> -> memref<528x128xf32, #tpu.memory_space<hbm>>
        %dma_start3A_31 = arith.constant 0 : i32
        %dma_start3A_32 = tpu.memref_slice %arg18[%mul3A_25, %dma_start3A_31] : memref<8456x128xf32, #tpu.memory_space<vmem_shared>> -> memref<528x128xf32, #tpu.memory_space<vmem_shared>>
        tpu.enqueue_dma source(%dma_start3A_32 : memref<528x128xf32, #tpu.memory_space<vmem_shared>>) target(%dma_start3A_30 : memref<528x128xf32, #tpu.memory_space<hbm>>) target_semaphore(%run_scoped3A : memref<!tpu.dma_semaphore, #tpu.memory_space<semaphore_mem>>)
        %dma_wait3A = arith.constant 0 : i32
        %dma_wait3A_33 = tpu.memref_slice %arg6[%add3A_28, %dma_wait3A] : memref<101376x128xf32, #tpu.memory_space<hbm>> -> memref<528x128xf32, #tpu.memory_space<hbm>>
        %dma_wait3A_34 = arith.constant 0 : i32
        %dma_wait3A_35 = tpu.memref_slice %arg18[%mul3A_25, %dma_wait3A_34] : memref<8456x128xf32, #tpu.memory_space<vmem_shared>> -> memref<528x128xf32, #tpu.memory_space<vmem_shared>>
        tpu.wait_dma2 semaphore(%run_scoped3A : memref<!tpu.dma_semaphore, #tpu.memory_space<semaphore_mem>>) src(%dma_wait3A_35 : memref<528x128xf32, #tpu.memory_space<vmem_shared>>) dst(%dma_wait3A_33 : memref<528x128xf32, #tpu.memory_space<hbm>>)
        tpu.yield
      }) : () -> ()
      %scan3A_29 = arith.constant 0 : i32
      scf.yield %scan3A_29 : i32
    }
    %scan3A_7 = arith.constant 6 : i32
    return
  }
}

module attributes {stable_mosaic.version = 14 : i64} {
  func.func @_mlp_block(%arg0: i32, %arg1: memref<2000x128xf32, #tpu.memory_space<vmem>>, %arg2: memref<128x128xf32, #tpu.memory_space<vmem>>, %arg3: memref<1x128xf32, #tpu.memory_space<vmem>>, %arg4: memref<128x32xf32, #tpu.memory_space<vmem>>, %arg5: memref<1x32xf32, #tpu.memory_space<vmem>>, %arg6: memref<32x128xf32, #tpu.memory_space<vmem>>, %arg7: memref<2000x128xf32, #tpu.memory_space<vmem>>) attributes {dimension_semantics = [#tpu.dimension_semantics<arbitrary>], iteration_bounds = array<i64: 50>, scalar_prefetch = 0 : i64, scratch_operands = 0 : i64, tpu.core_type = #tpu.core_type<tc>, window_params = [{transform_indices = @transform_0, window_bounds = array<i64: 2000, 128>}, {pipeline_mode = #tpu.pipeline_mode<synchronous>, transform_indices = @transform_1, window_bounds = array<i64: 128, 128>}, {pipeline_mode = #tpu.pipeline_mode<synchronous>, transform_indices = @transform_2, window_bounds = array<i64: 1, 128>}, {pipeline_mode = #tpu.pipeline_mode<synchronous>, transform_indices = @transform_3, window_bounds = array<i64: 128, 32>}, {pipeline_mode = #tpu.pipeline_mode<synchronous>, transform_indices = @transform_4, window_bounds = array<i64: 1, 32>}, {pipeline_mode = #tpu.pipeline_mode<synchronous>, transform_indices = @transform_5, window_bounds = array<i64: 32, 128>}, {transform_indices = @transform_6, window_bounds = array<i64: 2000, 128>}]} {
    %get3A = arith.constant 0 : index
    %get3A_0 = arith.constant 0 : index
    %get3A_1 = vector.load %arg1[%get3A, %get3A_0] : memref<2000x128xf32, #tpu.memory_space<vmem>>, vector<2000x128xf32>
    %get3A_2 = arith.constant 0 : index
    %get3A_3 = arith.constant 0 : index
    %get3A_4 = vector.load %arg2[%get3A_2, %get3A_3] : memref<128x128xf32, #tpu.memory_space<vmem>>, vector<128x128xf32>
    %dot_general3A = arith.constant dense<0.000000e+00> : vector<2000x128xf32>
    %dot_general3A_5 = tpu.matmul %get3A_1, %get3A_4, %dot_general3A {dimension_numbers = #tpu.dot_dimension_numbers<[1], [0], [0], [1], [0, 0, 1, 1], [], []>, transpose_lhs_hint = false} : vector<2000x128xf32>, vector<128x128xf32>, vector<2000x128xf32> -> vector<2000x128xf32>
    %get3A_6 = arith.constant 0 : index
    %get3A_7 = arith.constant 0 : index
    %get3A_8 = vector.load %arg3[%get3A_6, %get3A_7] : memref<1x128xf32, #tpu.memory_space<vmem>>, vector<1x128xf32>
    %add3A = vector.broadcast %get3A_8 : vector<1x128xf32> to vector<2000x128xf32>
    %add3A_9 = arith.addf %dot_general3A_5, %add3A : vector<2000x128xf32>
    %gt3A = arith.constant 0.000000e+00 : f32
    %gt3A_10 = vector.broadcast %gt3A : f32 to vector<2000x128xf32>
    %gt3A_11 = arith.cmpf ogt, %add3A_9, %gt3A_10 : vector<2000x128xf32>
    %mul3A = arith.constant 0.00999999977 : f32
    %mul3A_12 = vector.broadcast %mul3A : f32 to vector<2000x128xf32>
    %mul3A_13 = arith.mulf %mul3A_12, %add3A_9 : vector<2000x128xf32>
    %select_n3A = arith.select %gt3A_11, %add3A_9, %mul3A_13 : vector<2000x128xi1>, vector<2000x128xf32>
    %get3A_14 = arith.constant 0 : index
    %get3A_15 = arith.constant 0 : index
    %get3A_16 = vector.load %arg4[%get3A_14, %get3A_15] : memref<128x32xf32, #tpu.memory_space<vmem>>, vector<128x32xf32>
    %dot_general3A_17 = arith.constant dense<0.000000e+00> : vector<2000x32xf32>
    %dot_general3A_18 = tpu.matmul %select_n3A, %get3A_16, %dot_general3A_17 {dimension_numbers = #tpu.dot_dimension_numbers<[1], [0], [0], [1], [0, 0, 1, 1], [], []>, transpose_lhs_hint = false} : vector<2000x128xf32>, vector<128x32xf32>, vector<2000x32xf32> -> vector<2000x32xf32>
    %get3A_19 = arith.constant 0 : index
    %get3A_20 = arith.constant 0 : index
    %get3A_21 = vector.load %arg5[%get3A_19, %get3A_20] : memref<1x32xf32, #tpu.memory_space<vmem>>, vector<1x32xf32>
    %add3A_22 = vector.broadcast %get3A_21 : vector<1x32xf32> to vector<2000x32xf32>
    %add3A_23 = arith.addf %dot_general3A_18, %add3A_22 : vector<2000x32xf32>
    %gt3A_24 = arith.constant 0.000000e+00 : f32
    %gt3A_25 = vector.broadcast %gt3A_24 : f32 to vector<2000x32xf32>
    %gt3A_26 = arith.cmpf ogt, %add3A_23, %gt3A_25 : vector<2000x32xf32>
    %mul3A_27 = arith.constant 0.00999999977 : f32
    %mul3A_28 = vector.broadcast %mul3A_27 : f32 to vector<2000x32xf32>
    %mul3A_29 = arith.mulf %mul3A_28, %add3A_23 : vector<2000x32xf32>
    %select_n3A_30 = arith.select %gt3A_26, %add3A_23, %mul3A_29 : vector<2000x32xi1>, vector<2000x32xf32>
    %get3A_31 = arith.constant 0 : index
    %get3A_32 = arith.constant 0 : index
    %get3A_33 = vector.load %arg6[%get3A_31, %get3A_32] : memref<32x128xf32, #tpu.memory_space<vmem>>, vector<32x128xf32>
    %dot_general3A_34 = arith.constant dense<0.000000e+00> : vector<2000x128xf32>
    %dot_general3A_35 = tpu.matmul %select_n3A_30, %get3A_33, %dot_general3A_34 {dimension_numbers = #tpu.dot_dimension_numbers<[1], [0], [0], [1], [0, 0, 1, 1], [], []>, transpose_lhs_hint = false} : vector<2000x32xf32>, vector<32x128xf32>, vector<2000x128xf32> -> vector<2000x128xf32>
    %swap3A = arith.constant 0 : index
    %swap3A_36 = arith.constant 0 : index
    %swap3A_37 = vector.load %arg7[%swap3A, %swap3A_36] : memref<2000x128xf32, #tpu.memory_space<vmem>>, vector<2000x128xf32>
    tpu.vector_store %arg7[%swap3A, %swap3A_36], %dot_general3A_35 {strides = array<i32>} : memref<2000x128xf32, #tpu.memory_space<vmem>>, vector<2000x128xf32>,
    return
  }
  func.func @transform_0(%arg0: i32) -> (i32, i32) {
    %c0_i32 = arith.constant 0 : i32
    %c0_i32_0 = arith.constant 0 : i32
    return %arg0, %c0_i32 : i32, i32
  }
  func.func @transform_1(%arg0: i32) -> (i32, i32) {
    %c0_i32 = arith.constant 0 : i32
    %c0_i32_0 = arith.constant 0 : i32
    %c0_i32_1 = arith.constant 0 : i32
    return %c0_i32, %c0_i32_0 : i32, i32
  }
  func.func @transform_2(%arg0: i32) -> (i32, i32) {
    %c0_i32 = arith.constant 0 : i32
    %c0_i32_0 = arith.constant 0 : i32
    %c0_i32_1 = arith.constant 0 : i32
    return %c0_i32, %c0_i32_0 : i32, i32
  }
  func.func @transform_3(%arg0: i32) -> (i32, i32) {
    %c0_i32 = arith.constant 0 : i32
    %c0_i32_0 = arith.constant 0 : i32
    %c0_i32_1 = arith.constant 0 : i32
    return %c0_i32, %c0_i32_0 : i32, i32
  }
  func.func @transform_4(%arg0: i32) -> (i32, i32) {
    %c0_i32 = arith.constant 0 : i32
    %c0_i32_0 = arith.constant 0 : i32
    %c0_i32_1 = arith.constant 0 : i32
    return %c0_i32, %c0_i32_0 : i32, i32
  }
  func.func @transform_5(%arg0: i32) -> (i32, i32) {
    %c0_i32 = arith.constant 0 : i32
    %c0_i32_0 = arith.constant 0 : i32
    %c0_i32_1 = arith.constant 0 : i32
    return %c0_i32, %c0_i32_0 : i32, i32
  }
  func.func @transform_6(%arg0: i32) -> (i32, i32) {
    %c0_i32 = arith.constant 0 : i32
    %c0_i32_0 = arith.constant 0 : i32
    return %arg0, %c0_i32 : i32, i32
  }
}

module attributes {stable_mosaic.version = 14 : i64} {
  func.func @_scale_block(%arg0: i32, %arg1: memref<2000x128xf32, #tpu.memory_space<vmem>>, %arg2: memref<2x2000x1xf32, #tpu.memory_space<vmem>>, %arg3: memref<2000x128xf32, #tpu.memory_space<vmem>>, %arg4: memref<2000x1xf32, #tpu.memory_space<vmem>>) attributes {dimension_semantics = [#tpu.dimension_semantics<arbitrary>], iteration_bounds = array<i64: 50>, scalar_prefetch = 0 : i64, scratch_operands = 0 : i64, tpu.core_type = #tpu.core_type<tc>, window_params = [{transform_indices = @transform_0, window_bounds = array<i64: 2000, 128>}, {transform_indices = @transform_1, window_bounds = array<i64: 2, 2000, 1>}, {transform_indices = @transform_2, window_bounds = array<i64: 2000, 128>}, {transform_indices = @transform_3, window_bounds = array<i64: 2000, 1>}]} {
    %get3A = arith.constant 0 : index
    %get3A_0 = arith.constant 0 : index
    %get3A_1 = arith.constant 0 : index
    %get3A_2 = vector.load %arg2[%get3A, %get3A_0, %get3A_1] : memref<2x2000x1xf32, #tpu.memory_space<vmem>>, vector<1x2000x1xf32>
    %get3A_3 = vector.shape_cast %get3A_2 : vector<1x2000x1xf32> to vector<2000x1xf32>
    %get3A_4 = arith.constant 1 : index
    %get3A_5 = arith.constant 0 : index
    %get3A_6 = arith.constant 0 : index
    %get3A_7 = vector.load %arg2[%get3A_4, %get3A_5, %get3A_6] : memref<2x2000x1xf32, #tpu.memory_space<vmem>>, vector<1x2000x1xf32>
    %get3A_8 = vector.shape_cast %get3A_7 : vector<1x2000x1xf32> to vector<2000x1xf32>
    %add3A = arith.addf %get3A_3, %get3A_8 : vector<2000x1xf32>
    %add3A_9 = arith.constant 1.000000e+00 : f32
    %add3A_10 = vector.broadcast %add3A_9 : f32 to vector<2000x1xf32>
    %add3A_11 = arith.addf %add3A, %add3A_10 : vector<2000x1xf32>
    %rsqrt3A = math.rsqrt %add3A_11 : vector<2000x1xf32>
    %swap3A = arith.constant 0 : index
    %swap3A_12 = arith.constant 0 : index
    %swap3A_13 = vector.load %arg4[%swap3A, %swap3A_12] : memref<2000x1xf32, #tpu.memory_space<vmem>>, vector<2000x1xf32>
    tpu.vector_store %arg4[%swap3A, %swap3A_12], %rsqrt3A {strides = array<i32>} : memref<2000x1xf32, #tpu.memory_space<vmem>>, vector<2000x1xf32>,
    %get3A_14 = arith.constant 0 : index
    %get3A_15 = arith.constant 0 : index
    %get3A_16 = vector.load %arg1[%get3A_14, %get3A_15] : memref<2000x128xf32, #tpu.memory_space<vmem>>, vector<2000x128xf32>
    %mul3A = vector.broadcast %rsqrt3A : vector<2000x1xf32> to vector<2000x128xf32>
    %mul3A_17 = arith.mulf %get3A_16, %mul3A : vector<2000x128xf32>
    %swap3A_18 = arith.constant 0 : index
    %swap3A_19 = arith.constant 0 : index
    %swap3A_20 = vector.load %arg3[%swap3A_18, %swap3A_19] : memref<2000x128xf32, #tpu.memory_space<vmem>>, vector<2000x128xf32>
    tpu.vector_store %arg3[%swap3A_18, %swap3A_19], %mul3A_17 {strides = array<i32>} : memref<2000x128xf32, #tpu.memory_space<vmem>>, vector<2000x128xf32>,
    return
  }
  func.func @transform_0(%arg0: i32) -> (i32, i32) {
    %c0_i32 = arith.constant 0 : i32
    %c0_i32_0 = arith.constant 0 : i32
    return %arg0, %c0_i32 : i32, i32
  }
  func.func @transform_1(%arg0: i32) -> (i32, i32, i32) {
    %c0_i32 = arith.constant 0 : i32
    %c0_i32_0 = arith.constant 0 : i32
    %c0_i32_1 = arith.constant 0 : i32
    return %c0_i32, %arg0, %c0_i32_0 : i32, i32, i32
  }
  func.func @transform_2(%arg0: i32) -> (i32, i32) {
    %c0_i32 = arith.constant 0 : i32
    %c0_i32_0 = arith.constant 0 : i32
    return %arg0, %c0_i32 : i32, i32
  }
  func.func @transform_3(%arg0: i32) -> (i32, i32) {
    %c0_i32 = arith.constant 0 : i32
    %c0_i32_0 = arith.constant 0 : i32
    return %arg0, %c0_i32 : i32, i32
  }
}

module attributes {stable_mosaic.version = 14 : i64} {
  func.func @_epilogue_block(%arg0: i32, %arg1: memref<2000x128xf32, #tpu.memory_space<vmem>>, %arg2: memref<2000x128xf32, #tpu.memory_space<vmem>>, %arg3: memref<2000x1xf32, #tpu.memory_space<vmem>>, %arg4: memref<1x128xf32, #tpu.memory_space<vmem>>, %arg5: memref<2000x128xf32, #tpu.memory_space<vmem>>) attributes {dimension_semantics = [#tpu.dimension_semantics<arbitrary>], iteration_bounds = array<i64: 50>, scalar_prefetch = 0 : i64, scratch_operands = 0 : i64, tpu.core_type = #tpu.core_type<tc>, window_params = [{transform_indices = @transform_0, window_bounds = array<i64: 2000, 128>}, {transform_indices = @transform_1, window_bounds = array<i64: 2000, 128>}, {transform_indices = @transform_2, window_bounds = array<i64: 2000, 1>}, {pipeline_mode = #tpu.pipeline_mode<synchronous>, transform_indices = @transform_3, window_bounds = array<i64: 1, 128>}, {transform_indices = @transform_4, window_bounds = array<i64: 2000, 128>}]} {
    %get3A = arith.constant 0 : index
    %get3A_0 = arith.constant 0 : index
    %get3A_1 = vector.load %arg1[%get3A, %get3A_0] : memref<2000x128xf32, #tpu.memory_space<vmem>>, vector<2000x128xf32>
    %get3A_2 = arith.constant 0 : index
    %get3A_3 = arith.constant 0 : index
    %get3A_4 = vector.load %arg2[%get3A_2, %get3A_3] : memref<2000x128xf32, #tpu.memory_space<vmem>>, vector<2000x128xf32>
    %add3A = arith.addf %get3A_1, %get3A_4 : vector<2000x128xf32>
    %get3A_5 = arith.constant 0 : index
    %get3A_6 = arith.constant 0 : index
    %get3A_7 = vector.load %arg3[%get3A_5, %get3A_6] : memref<2000x1xf32, #tpu.memory_space<vmem>>, vector<2000x1xf32>
    %mul3A = vector.broadcast %get3A_7 : vector<2000x1xf32> to vector<2000x128xf32>
    %mul3A_8 = arith.mulf %add3A, %mul3A : vector<2000x128xf32>
    %get3A_9 = arith.constant 0 : index
    %get3A_10 = arith.constant 0 : index
    %get3A_11 = vector.load %arg4[%get3A_9, %get3A_10] : memref<1x128xf32, #tpu.memory_space<vmem>>, vector<1x128xf32>
    %add3A_12 = vector.broadcast %get3A_11 : vector<1x128xf32> to vector<2000x128xf32>
    %add3A_13 = arith.addf %mul3A_8, %add3A_12 : vector<2000x128xf32>
    %logistic3A = arith.negf %add3A_13 : vector<2000x128xf32>
    %logistic3A_14 = math.exp %logistic3A : vector<2000x128xf32>
    %logistic3A_15 = arith.constant 1.000000e+00 : f32
    %logistic3A_16 = vector.broadcast %logistic3A_15 : f32 to vector<2000x128xf32>
    %logistic3A_17 = arith.addf %logistic3A_16, %logistic3A_14 : vector<2000x128xf32>
    %logistic3A_18 = arith.divf %logistic3A_16, %logistic3A_17 : vector<2000x128xf32>
    %swap3A = arith.constant 0 : index
    %swap3A_19 = arith.constant 0 : index
    %swap3A_20 = vector.load %arg5[%swap3A, %swap3A_19] : memref<2000x128xf32, #tpu.memory_space<vmem>>, vector<2000x128xf32>
    tpu.vector_store %arg5[%swap3A, %swap3A_19], %logistic3A_18 {strides = array<i32>} : memref<2000x128xf32, #tpu.memory_space<vmem>>, vector<2000x128xf32>,
    return
  }
  func.func @transform_0(%arg0: i32) -> (i32, i32) {
    %c0_i32 = arith.constant 0 : i32
    %c0_i32_0 = arith.constant 0 : i32
    return %arg0, %c0_i32 : i32, i32
  }
  func.func @transform_1(%arg0: i32) -> (i32, i32) {
    %c0_i32 = arith.constant 0 : i32
    %c0_i32_0 = arith.constant 0 : i32
    return %arg0, %c0_i32 : i32, i32
  }
  func.func @transform_2(%arg0: i32) -> (i32, i32) {
    %c0_i32 = arith.constant 0 : i32
    %c0_i32_0 = arith.constant 0 : i32
    return %arg0, %c0_i32 : i32, i32
  }
  func.func @transform_3(%arg0: i32) -> (i32, i32) {
    %c0_i32 = arith.constant 0 : i32
    %c0_i32_0 = arith.constant 0 : i32
    %c0_i32_1 = arith.constant 0 : i32
    return %c0_i32, %c0_i32_0 : i32, i32
  }
  func.func @transform_4(%arg0: i32) -> (i32, i32) {
    %c0_i32 = arith.constant 0 : i32
    %c0_i32_0 = arith.constant 0 : i32
    return %arg0, %c0_i32 : i32, i32
  }
}

</mosaic_0001>

<sc_bundles>
// kernel: kernel.10.cloned.1.call-start
scs
__scs_entry_jumppad:
0x0: {  	(pc) =	sbr.rel $0x88, $3  }
0x1: {  	(tag) =	ssettag $0x0;
	lr =	simm.s32 $0x1  }
0x2: {  	[smem:$0x3F99] =	sst lr;
	_ =	strace $0xD0000000  }
0x3: {  	_ = 	snop  }
0x4: {  	_ = 	snop  }
0x5: {  	_ = 	snop  }
0x6: {  	_ = 	snop  }
0x7: {  	_ = 	snop  }
__scs_overlays_trampoline_lowered:
0x8: {  	[smem:$0x3FA8] =	sst s0  }
0x9: {  	[smem:$0x3FA9] =	sst s1  }
0xa: {  	[smem:$0x3FAA] =	sst s2  }
0xb: {  	[smem:$0x3FAB] =	sst s3  }
0xc: {  	[smem:$0x3FAC] =	sst s4  }
0xd: {  	[smem:$0x3FAD] =	sst s5  }
0xe: {  	[smem:$0x3FAE] =	sst s6  }
0xf: {  	[smem:$0x3FAF] =	sst s7  }
0x10: {  	[smem:$0x3FB0] =	sst s8  }
0x11: {  	[smem:$0x3FB1] =	sst s9;
	s0 =	simm.s32 @!p0 $0x0  }
0x12: {  	s1 =	sld [smem:$0x3F97];
	s0 =	simm.s32 @p0 $0x1  }
0x13: {  	[smem:$0x3FB2] =	sst s0;
	s0 =	simm.s32 @!p1 $0x0  }
0x14: {  	s2 =	sld [smem:$0x3F96];
	s0 =	simm.s32 @p1 $0x1  }
0x15: {  	[smem:$0x3FB3] =	sst s0;
	s0 =	simm.s32 @!p2 $0x0  }
0x16: {  	s3 =	sld [smem:$0x3FDB];
	s0 =	simm.s32 @p2 $0x1  }
0x17: {  	s4 =	simm.s32 $0x1BF5;
	[smem:$0x3FB5] =	sst s0  }
0x18: {  	s0 =	sld [smem:$0x3F98];
	_ =	swait.ge [sflag:s4], $0x0  }
0x19: {  	s7 =	sld [smem:$0x3F99]  }
0x1a: {  	s8 =	sadd.s32 $0xFFFFE003, lr  }
0x1b: {  	s9 =	sadd.s32 $0xFFFFFEF7, lr;
	s5 =	simm.s32 $0xFFFFFFFF;
	p2 =	slt.u32 s8, $0xFFFFF086  }
0x1c: {  	p1 =	slt.u32 s9, $0xF7A;
	s5 =	simm.s32 @!p2 $0x0  }
0x1d: {  	s5 =	simm.s32 @p1 $0x1;
	p0 =	seq.s32 s7, s2  }
0x1e: {  	s7 =	smul.u32 @!p0 $0xF7A, s2;
	p2 =	seq.s32 @!p0 s5, $0x0  }
0x1f: {  	s9 =	smul.u32 $0xF7A, s1;
	s8 =	simm.s32 @!p0 $0x1BF5;
	p2 =	por !p2, p0  }
0x20: {  	[sflag:s8] =	ssyncset.s32 @!p0 $0xFFFFF086;
	s6 =	sadd.s32 @!p0 s3, s7;
	s7 =	simm.s32 @!p0 $0x108  }
0x21: {  	s3 =	sadd.s32 s3, s9;
	s6 =	sadd.s32 @!p0 $0x88, s6;
	s7 =	simm.s32 @p2 $0x1082  }
0x22: {  	[simem:s7], [sflag:s8] =	dma.local @!p0 [hbm:s6], $0xF7A  }
0x23: {  	s9 =	sor.u32 $0xD0000000, s2;
	s6 =	simm.s32 $0x108;
	_ =	swait.ge @!p0 [sflag:s8], $0x0  }
0x24: {  	s3 =	sadd.s32 $0x88, s3;
	s6 =	simm.s32 @!p1 $0x1082;
	[sflag:s4] =	ssyncset.s32 $0xFFFFF086  }
0x25: {  	[simem:s6], [sflag:s4] =	dma.local [hbm:s3], $0xF7A  }
0x26: {  	[smem:$0x3F99] =	sst s1;
	(tag) =	ssettag s2;
	_ =	strace s9  }
0x27: {  	s1 =	sld [smem:$0x3FA9]  }
0x28: {  	s2 =	sld [smem:$0x3FAA]  }
0x29: {  	s4 =	sld [smem:$0x3FAC]  }
0x2a: {  	p0 =	seq.s32 s5, $0x0;
	s5 =	sld [smem:$0x3FAD]  }
0x2b: {  	s6 =	sld [smem:$0x3FAE]  }
0x2c: {  	s7 =	sld [smem:$0x3FAF]  }
0x2d: {  	s3 =	simm.s32 $0x108;
	s8 =	sld [smem:$0x3FB0]  }
0x2e: {  	s3 =	simm.s32 @!p0 $0x1082;
	s9 =	sld [smem:$0x3FB1]  }
0x2f: {  	lr =	sadd.s32 s0, s3;
	s0 =	sld [smem:$0x3FA8]  }
0x30: {  	s3 =	sld [smem:$0x3FAB]  }
0x31: {  	[smem:$0x3FB4] =	sst s10  }
0x32: {  	s10 =	sld [smem:$0x3FB2];
	_ =	sdelay $0x3  }
0x33: {  	p0 =	seq.s32 s10, $0x1;
	s10 =	sld [smem:$0x3FB4];
	_ =	sdelay $0x3  }
0x34: {  	[smem:$0x3FB4] =	sst s10  }
0x35: {  	s10 =	sld [smem:$0x3FB3];
	_ =	sdelay $0x3  }
0x36: {  	p1 =	seq.s32 s10, $0x1;
	s10 =	sld [smem:$0x3FB4];
	_ =	sdelay $0x3  }
0x37: {  	[smem:$0x3FB4] =	sst s10  }
0x38: {  	s10 =	sld [smem:$0x3FB5]  }
0x39: {  	_ = 	snop;
	(pc) =	sbr.ind lr, $3  }
0x3a: {  	_ = 	snop  }
0x3b: {  	_ = 	snop  }
0x3c: {  	p2 =	seq.s32 s10, $0x1;
	s10 =	sld [smem:$0x3FB4]  }
0x3d: {  	_ =	shalt  }
0x3e: {  	_ =	shalt  }
0x3f: {  	_ =	shalt  }
0x40: {  	_ =	shalt  }
0x41: {  	_ =	shalt  }
0x42: {  	_ =	shalt  }
0x43: {  	_ =	shalt  }
0x44: {  	_ =	shalt  }
0x45: {  	_ =	shalt  }
0x46: {  	_ =	shalt  }
0x47: {  	_ =	shalt  }
0x48: {  	_ =	shalt  }
0x49: {  	_ =	shalt  }
0x4a: {  	_ =	shalt  }
0x4b: {  	_ =	shalt  }
0x4c: {  	_ =	shalt  }
0x4d: {  	_ =	shalt  }
0x4e: {  	_ =	shalt  }
0x4f: {  	_ =	shalt  }
0x50: {  	_ =	shalt  }
0x51: {  	_ =	shalt  }
0x52: {  	_ =	shalt  }
0x53: {  	_ =	shalt  }
0x54: {  	_ =	shalt  }
0x55: {  	_ =	shalt  }
0x56: {  	_ =	shalt  }
0x57: {  	_ =	shalt  }
0x58: {  	_ =	shalt  }
0x59: {  	_ =	shalt  }
0x5a: {  	_ =	shalt  }
0x5b: {  	_ =	shalt  }
0x5c: {  	_ =	shalt  }
0x5d: {  	_ =	shalt  }
0x5e: {  	_ =	shalt  }
0x5f: {  	_ =	shalt  }
0x60: {  	_ =	shalt  }
0x61: {  	_ =	shalt  }
0x62: {  	_ =	shalt  }
0x63: {  	_ =	shalt  }
0x64: {  	_ =	shalt  }
0x65: {  	_ =	shalt  }
0x66: {  	_ =	shalt  }
0x67: {  	_ =	shalt  }
0x68: {  	_ =	shalt  }
0x69: {  	_ =	shalt  }
0x6a: {  	_ =	shalt  }
0x6b: {  	_ =	shalt  }
0x6c: {  	_ =	shalt  }
0x6d: {  	_ =	shalt  }
0x6e: {  	_ =	shalt  }
0x6f: {  	_ =	shalt  }
0x70: {  	_ =	shalt  }
0x71: {  	_ =	shalt  }
0x72: {  	_ =	shalt  }
0x73: {  	_ =	shalt  }
0x74: {  	_ =	shalt  }
0x75: {  	_ =	shalt  }
0x76: {  	_ =	shalt  }
0x77: {  	_ =	shalt  }
0x78: {  	_ =	shalt  }
0x79: {  	_ =	shalt  }
0x7a: {  	_ =	shalt  }
0x7b: {  	_ =	shalt  }
0x7c: {  	_ =	shalt  }
0x7d: {  	_ =	shalt  }
0x7e: {  	_ =	shalt  }
0x7f: {  	_ =	shalt  }
0x80: {  	_ =	shalt  }
0x81: {  	_ =	shalt  }
0x82: {  	_ =	shalt  }
0x83: {  	_ =	shalt  }
0x84: {  	_ =	shalt  }
0x85: {  	_ =	shalt  }
0x86: {  	_ =	shalt  }
0x87: {  	_ =	shalt  }
.Lfunc_end0:
.L_simem_size_0:
called_computation.1_lowered:
.L_overlay_start_0:
0x88: {  	s2 =	sld [smem:$0x3FD9]  }
0x89: {  	s3 =	sld [smem:$0x3FFE];
	_ =	sdelay $0x1  }
0x8a: {  	s1 =	srdreg.scid  }
0x8b: {  	s0 =	sand.u32 $0x1, s1  }
0x8c: {  	s17 =	sshll.u32 s0, $0xA;
	s2 =	sadd.s32 s3, s2  }
0x8d: {  	s2 =	sadd.s32 s2, s17  }
0x8e: {  	[smem:$0x3FC0] =	sst s2  }
0x8f: {  	_ = 	snop  }
0x90: {  	s2 =	sld [smem:$0x3FD0];
	(tm) =	ssettm $0x1  }
0x91: {  	s18 =	sld [smem:$0x3FFB];
	_ =	sdelay $0x3  }
0x92: {  	_ =	strace s18  }
0x93: {  	s3 =	sld [smem:$0x3FFC];
	_ =	sdelay $0x3  }
0x94: {  	_ =	strace s3  }
0x95: {  	s3 =	sld [smem:$0x3FFD];
	_ =	sdelay $0x3  }
0x96: {  	_ =	strace s3  }
0x97: {  	_ =	strace $0x8FFFFFFF  }
0x98: {  	s19 =	sld [smem:$0x3FDB];
	_ =	sdelay $0x1  }
0x99: {  	s4 =	simm.s32 $_scs_section_size  }
0x9a: {  	s5 =	simm.s32 $_size__tile_overlayer_lowered;
	s6 =	simm.s32 $_tile_overlayer_lowered  }
0x9b: {  	s22 =	simm.s32 $0x1BFF;
	s21 =	sshll.u32 s6, $0x1;
	s3 =	sadd.s32 s4, s19  }
0x9c: {  	s7 =	simm.s32 $0x0;
	s20 =	sshll.u32 s5, $0x1;
	s5 =	sadd.s32 s21, s3  }
0x9d: {  	[timem:s7], [sflag:s22] =	dma.local [hbm:s5], s20  }
0x9e: {  	_ =	swait.ge [sflag:s22], s20  }
0x9f: {  	s4 =	ssub.s32 $0x0, s20;
	[sflag:s22] =	ssyncset.done $0x0  }
0xa0: {  	[sflag:s22] =	ssyncadd.s32 s4;
	_ =	sdelay $0x1  }
0xa1: {  	s23 =	simm.s32 $0x1B8B  }
0xa2: {  	_ =	swait.ge [sflag:s23], $0x1  }
0xa3: {  	[sflag:s23] =	ssyncset.done $0x0  }
0xa4: {  	s25 =	simm.s32 $0x1B8E;
	s24 =	sld [smem:$0x3FFE];
	[sflag:s23] =	ssyncadd.s32 $0xFFFFFFFF  }
0xa5: {  	s26 =	simm.s32 $execute0_lowered;
	[smem:$0x3FD2] =	sst s25  }
0xa6: {  	s5 =	sshll.u32 s26, $0x1;
	_ =	strace $0x80000049;
	[dreg:$0x1] =	wrdreg $0xFFFFFFFF  }
0xa7: {  	s28 =	simm.s32 $_size_execute0_lowered;
	s3 =	sadd.s32 s3, s5;
	[dreg:$0x0] =	wrdreg $0x0  }
0xa8: {  	s5 =	sshll.u32 s28, $0x1;
	[dreg:$0x2] =	wrdreg s3  }
0xa9: {  	[dreg:$0x3] =	wrdreg s5  }
0xaa: {  	[dreg:$0x4] =	wrdreg $0xC0  }
0xab: {  	_ =	task [dreg:s7], $0x5FFFF  }
0xac: {  	[dreg:$0x1] =	wrdreg $0xFFFFFFFF  }
0xad: {  	[dreg:$0x0] =	wrdreg $0x60  }
0xae: {  	[dreg:$0x2] =	wrdreg s24  }
0xaf: {  	[dreg:$0x3] =	wrdreg s2  }
0xb0: {  	[dreg:$0x4] =	wrdreg $0xD9000  }
0xb1: {  	[dreg:$0x5] =	wrdreg $0x9  }
0xb2: {  	_ =	task.clear_ibuf [dreg:s7], $0x6FFFF;
	_ =	strace $0x90000049  }
0xb3: {  	s29 =	simm.s32 $0x9;
	_ =	strace $0x8000004B  }
0xb4: {  	_ =	swait.ge [sflag:s29], $0x1  }
0xb5: {  	[sflag:s29] =	ssyncadd.s32 $0xFFFFFFFF  }
0xb6: {  	_ =	strace $0x9000004B  }
0xb7: {  	_ =	sfence  }
0xb8: {  	s30 =	sld [smem:$0x0];
	_ =	sdelay $0x2  }
0xb9: {  	s31 =	sshll.u32 s1, $0xD;
	s1 =	sshrl.u32 s1, $0x2  }
0xba: {  	s3 =	sand.u32 $0x4000, s31;
	s1 =	sadd.s32 s1, s30  }
0xbb: {  	s0 =	sor.u32 s3, s0;
	s1 =	sshll.u32 s1, $0x11  }
0xbc: {  	s0 =	sor.u32 s1, s0  }
0xbd: {  	s0 =	sadd.s32 $0x8F2B, s0  }
0xbe: {  	[sflag:s0] =	ssyncadd.remote.s32 $0x1  }
0xbf: {  	_ =	sfence.sel $0xFFFF  }
0xc0: {  	[dreg:$0x0] =	wrdreg $0xFFFFFFFF;
	(pc) =	sbr.abs _section_cstart, $3  }
0xc1: {  	[dreg:$0x1] =	wrdreg $0xFFFFFFFF  }
0xc2: {  	_ =	task.clear_ibuf [dreg:s7], $0x2FFFF;
	_ =	strace $0x9FFFFFFF  }
0xc3: {  	(tm) =	ssettm $0x7FFFFFFF  }
tec
execute0_lowered:
.L_overlay_start_1:
0x0: {  	(tag) =	ssettag $0x1  }
0x1: {  	s0 =	rddreg [dreg:$0x0]  }
0x2: {  	s2 =	rddreg [dreg:$0x2];
	s1 =	simm.s32 $0x0  }
0x3: {  	s3 =	srdreg.scid;
	s13 =	stileid.u32;
	s15 =	simm.s32 $0x3  }
0x4: {  	s16 =	simm.s32 $0x2780;
	s17 =	simm.s32 $0x60;
	s18 =	simm.s32 $0x7780  }
0x5: {  	s19 =	simm.s32 $0x7800;
	s22 =	simm.s32 $0x0;
	[smem:$0x7FF] =	sst s1  }
0x6: {  	s5 =	sadd.s32 $0x36FE00, s0;
	s3 =	sand.u32 $0x1, s3;
	s7 =	smul.u32 $0x186A0, s13  }
0x7: {  	s6 =	sadd.s32 $0xE00, s0;
	s8 =	sadd.s32 $0x31C00, s0;
	s12 =	smul.u32 $0x42000, s13  }
.Ltmp0:
0x8: {  	s9 =	sadd.s32 $0x62A00, s0;
	s4 =	ssub.s32 $0x2, s3;
	(pc) =	sbr.rel .LBB2_1-.Ltmp0, $4  }
0x9: {  	s11 =	smul.u32 $0x210, s13;
	s31 =	sshll.u32 s13, $0x6;
	s10 =	sshrl.u32 s4, $0x1  }
0xa: {  	_ =	strace $0x8000004A;
	s30 =	sshrl.u32 s12, $0x2;
	s29 =	ssub.s32 s4, s10  }
0xb: {  	s10 =	smul.u32 $0x6, s3;
	s3 =	sadd.s32 s30, s2;
	s0 =	smax.u32 s29, $0x1  }
0xc: {  	v0 =	vlaneseq.u32;
	v1 =	vimm.s32 $0x42000000;
	s12 =	sor.u32 $0x1C03, s31;
	s14 =	sshrl.u32 s3, $0x3;
	[dreg:$0x5] =	wrdreg s0  }
.LBB2_36:
0xd: {  	s1 =	rddreg [dreg:$0x4]  }
0xe: {  	s0 =	rddreg [dreg:$0x5];
	s1 =	sadd.s32 $0x1, s1  }
0xf: {  	p0 =	sne.s32 s1, s0  }
.Ltmp1:
0x10: {  	_ = 	snop;
	(pc) =	sbr.rel @!p0 .LBB2_37-.Ltmp1, $1  }
0x11: {  	_ =	sdelay $0x3  }
.LBB2_1:
.Ltmp2:
0x12: {  	(pc) =	sbr.rel .LBB2_2-.Ltmp2, $2  }
0x13: {  	_ =	sdelay $0x2  }
0x14: {  	[dreg:$0x4] =	wrdreg s1;
	s20 =	simm.s32 $0x0  }
.LBB2_35:
0x15: {  	s0 =	sadd.s32 s11, s21;
	s20 =	sadd.s32 $0x1, s20  }
0x16: {  	s0 =	sshll.u32 s0, $0x4;
	p0 =	sne.s32 s20, $0x6  }
.Ltmp3:
0x17: {  	[bflag:$0x0] =	sbarrier.arrive $0xFFFF;
	s0 =	sadd.s32 s9, s0;
	(pc) =	sbr.rel @!p0 .LBB2_36-.Ltmp3, $4  }
0x18: {  	[hbm:s0], [sflag:s12] =	dma.local [spmem:s14], $0x2100  }
0x19: {  	_ =	swait.ge [sflag:s15], $0x2100  }
0x1a: {  	[sflag:s15] =	ssyncset.done $0x0  }
0x1b: {  	[sflag:s15] =	ssyncadd.s32 $0xFFFFDF00  }
.LBB2_2:
0x1c: {  	s1 =	rddreg [dreg:$0x1]  }
0x1d: {  	[spmem:s14], [sflag:s12] =	dma.local [hbm:s1], $0x2100  }
.Ltmp4:
0x1e: {  	s0 =	sadd.s32 s10, s20;
	_ =	swait.ge [sflag:s15], $0x2100;
	(pc) =	sbr.rel .LBB2_3-.Ltmp4, $4  }
0x1f: {  	s21 =	smul.u32 $0x2100, s0;
	[sflag:s15] =	ssyncset.done $0x0  }
0x20: {  	[sflag:s15] =	ssyncadd.s32 $0xFFFFDF00  }
0x21: {  	s0 =	sadd.s32 $0x2100, s21;
	[bflag:$0x0] =	sbarrier.arrive $0xFFFF  }
0x22: {  	s23 =	simm.s32 $0x0;
	v2 =	vmov s21;
	v3 =	vmov s0  }
.LBB2_34:
0x23: {  	s23 =	sadd.s32 $0x1, s23  }
0x24: {  	p0 =	sne.s32 s23, $0xA  }
.Ltmp5:
0x25: {  	_ = 	snop;
	(pc) =	sbr.rel @!p0 .LBB2_35-.Ltmp5, $1  }
0x26: {  	_ =	sdelay $0x3  }
.LBB2_3:
0x27: {  	s0 =	smul.u32 $0x2710, s23;
	_ =	sdelay $0x1  }
0x28: {  	s0 =	sadd.s32 s7, s0  }
0x29: {  	s0 =	sshrl.u32 s0, $0x3  }
0x2a: {  	s3 =	sadd.s32 s6, s0  }
0x2b: {  	[tilespmem:s22], [sflag:$0x3] =	stream.linear.gather [hbm4b:s3+s22], $0x2710, $0x38;
	[tilespmem:$0x1E140] =	vst v63  }
0x2c: {  	_ =	swait.ge [sflag:s15], $0x2710  }
0x2d: {  	[sflag:s15] =	ssyncset.done $0x0  }
.Ltmp6:
0x2e: {  	s0 =	sadd.s32 s8, s0;
	[sflag:s15] =	ssyncadd.s32 $0xFFFFD8F0;
	(pc) =	sbr.rel .LBB2_4-.Ltmp6, $4  }
0x2f: {  	[tilespmem:s16], [sflag:$0x3] =	stream.linear.gather [hbm4b:s0+s22], $0x2710, $0x38;
	[tilespmem:$0x1E140] =	vst v63  }
0x30: {  	_ =	swait.ge [sflag:s15], $0x2710  }
0x31: {  	[sflag:s15] =	ssyncset.done $0x0  }
0x32: {  	v4 =	vimm.s32 $0x42000000;
	s24 =	simm.s32 $0x0;
	s25 =	simm.s32 $0x0;
	[sflag:s15] =	ssyncadd.s32 $0xFFFFD8F0  }
.LBB2_7:
0x33: {  	s24 =	smov.u32 s26  }
.LBB2_22:
0x34: {  	s25 =	sadd.s32 $0x1, s25  }
0x35: {  	p0 =	sne.s32 s25, $0x138  }
.Ltmp7:
0x36: {  	_ = 	snop;
	(pc) =	sbr.rel @!p0 .LBB2_23-.Ltmp7, $1  }
0x37: {  	_ =	sdelay $0x3  }
.LBB2_4:
0x38: {  	s3 =	sshll.u32 s25, $0x5  }
0x39: {  	v7 =	vld [tilespmem:s3+$0x2780];
	_ =	sdelay $0x4  }
0x3a: {  	vm0 =	vge.s32 v7, v2;
	vm1 =	vlt.s32 v7, v3  }
0x3b: {  	v5 =	vld [tilespmem:s3+$0x2790];
	vm1 =	vmand vm0, vm1  }
0x3c: {  	v6 =	vmpcnt.ones.xlane vm1;
	_ =	sdelay $0x1  }
0x3d: {  	(v2sf) =	vpush v6, $0x0;
	_ =	sdelay $0x1  }
0x3e: {  	vm2 =	vlt.s32 v5, v3;
	vm0 =	vge.s32 v5, v2  }
0x3f: {  	vm0 =	vmand vm0, vm2  }
0x40: {  	v6 =	vmpcnt.ones.xlane vm0;
	_ =	sdelay $0x1  }
0x41: {  	(v2sf) =	vpush v6, $0x0;
	_ =	sdelay $0x8  }
0x42: {  	s0 =	spop (v2sf)  }
0x43: {  	p0 =	slt.s32 s0, $0x1  }
.Ltmp8:
0x44: {  	_ = 	snop;
	(pc) =	sbr.rel @p0 .LBB2_5-.Ltmp8, $3  }
0x45: {  	_ =	sdelay $0x1  }
0x46: {  	v8 =	vld [tilespmem:s3+$0x0]  }
0x47: {  	v6 =	vld [tilespmem:s3+$0x10];
	s28 =	spop (v2sf)  }
0x48: {  	p2 =	seq.s32 s0, $0x1  }
.Ltmp9:
0x49: {  	_ = 	snop;
	(pc) =	sbr.rel @p2 .LBB2_9-.Ltmp9, $4  }
0x4a: {  	s3 =	sshra.s32 s24, $0x1F  }
0x4b: {  	v7 =	vsub.s32 v7, v2;
	s26 =	sadd.s32 s24, s0;
	s3 =	sshrl.u32 s3, $0x1C  }
0x4c: {  	s0 =	sadd.s32 $0xFFFFFFFF, s0;
	s30 =	sadd.s32 $0x1, s24;
	v7 =	vshll.u32 v7, $0x11;
	s13 =	sadd.s32 s3, s24  }
0x4d: {  	p1 =	slt.s32 s24, $0x1;
	p0 =	por $0x0, $0x0;
	v7 =	vor.u32 v8, v7;
	s29 =	sand.u32 $0xFFFFFFF0, s13  }
0x4e: {  	v8 =	vmctz.xlane vm1  }
0x4f: {  	s3 =	sshra.s32 s30, $0x1F;
	p0 =	sne.s32 s24, s29;
	p2 =	seq.s32 s0, $0x1  }
.Ltmp10:
0x50: {  	s31 =	sadd.s32 $0xFFFFFFFF, s0;
	s0 =	sadd.s32 $0x1, s30;
	v8 =	vbroadcast v8, $0x0;
	(pc) =	sbr.rel @p2 .LBB2_11-.Ltmp10, $4  }
0x51: {  	s1 =	ssub.s32 s24, s29;
	s24 =	simm.s32 $0x1;
	p0 =	por !p1, !p0  }
0x52: {  	s13 =	sshrl.u32 s13, $0x4;
	s4 =	sshrl.u32 s3, $0x1C;
	p0 =	por !p0, !p0  }
0x53: {  	vm2 =	vmmov vm1;
	p1 =	slt.s32 s30, $0x1;
	s4 =	sadd.s32 s4, s30;
	s24 =	simm.s32 @!p0 $0x0  }
0x54: {  	v10 =	vmov s1;
	s29 =	sand.u32 $0xFFFFFFF0, s4;
	p0 =	por $0x1, $0x1;
	v9 =	vperm.xlane v7, v8;
	s3 =	ssub.s32 s13, s24;
	vm3 =	vne.s32 v8, v0;
	v8 =	vmovc v4  }
.LBB2_12:
0x55: {  	s13 =	sshra.s32 s0, $0x1F  }
0x56: {  	p3 =	sne.s32 s30, s29;
	s3 =	sshll.u32 s3, $0x6;
	s24 =	smov.u32 s4  }
0x57: {  	vm4 =	veq.s32 v10, v0;
	vm2 =	vmand vm2, vm3;
	s1 =	smov.u32 s30;
	s30 =	smov.u32 s0;
	p2 =	seq.s32 s31, $0x1  }
.Ltmp11:
0x58: {  	s31 =	sadd.s32 $0xFFFFFFFF, s31;
	v10 =	vmctz.xlane vm2;
	v8 =	vsel vm4, v9, v8;
	s3 =	sshra.s32 s3, $0x2;
	(pc) =	sbr.rel @!p2 .LBB2_12-.Ltmp11, $4  }
0x59: {  	s0 =	sadd.s32 $0x1, s0;
	s4 =	sshrl.u32 s13, $0x1C;
	p1 =	por !p1, !p3;
	[tilespmem:s3+$0x4F00] =	vst v8  }
0x5a: {  	s13 =	simm.s32 $0x1;
	s4 =	sadd.s32 s4, s30;
	p1 =	por !p1, !p1;
	v11 =	vbroadcast v10, $0x0  }
0x5b: {  	s1 =	ssub.s32 s1, s29;
	s3 =	sshrl.u32 s24, $0x4;
	s13 =	simm.s32 @!p1 $0x0  }
0x5c: {  	s29 =	sand.u32 $0xFFFFFFF0, s4;
	p1 =	slt.s32 s30, $0x1;
	v10 =	vmov s1;
	s3 =	ssub.s32 s3, s13;
	v9 =	vperm.xlane v7, v11;
	vm3 =	vne.s32 v11, v0  }
0x5d: {  	s24 =	smov.u32 s30;
	s13 =	smov.u32 s4  }
.LBB2_14:
0x5e: {  	vm2 =	vmand @p0 vm2, vm3  }
0x5f: {  	vm1 =	vmmov @p0 vm2  }
0x60: {  	p2 =	sne.s32 s24, s29;
	v11 =	vmctz.xlane vm1  }
0x61: {  	p1 =	por !p1, !p2  }
0x62: {  	s0 =	simm.s32 $0x1;
	s1 =	ssub.s32 s24, s29;
	p1 =	por !p1, !p1;
	v11 =	vbroadcast v11, $0x0  }
.Ltmp12:
0x63: {  	s4 =	sshrl.u32 s13, $0x4;
	vm1 =	veq.s32 @p0 v10, v0;
	s0 =	simm.s32 @!p1 $0x0;
	(pc) =	sbr.rel .LBB2_6-.Ltmp12, $4  }
0x64: {  	s3 =	sshll.u32 @p0 s3, $0x6;
	v63 =	vmov s1;
	v8 =	vsel @p0 vm1, v9, v8;
	s0 =	ssub.s32 s4, s0;
	v7 =	vperm.xlane v7, v11  }
0x65: {  	s1 =	sshra.s32 @p0 s3, $0x2;
	vm1 =	veq.s32 v63, v0;
	v4 =	vpsel p0, v8, v4;
	s0 =	sshll.u32 s0, $0x6  }
0x66: {  	[tilespmem:s1+$0x4F00] =	vst @p0 v8;
	s0 =	sshra.s32 s0, $0x2;
	v4 =	vsel vm1, v7, v4  }
0x67: {  	[tilespmem:s0+$0x4F00] =	vst v4  }
.LBB2_5:
0x68: {  	s26 =	smov.u32 s24  }
.LBB2_6:
0x69: {  	p0 =	slt.s32 s28, $0x1  }
.Ltmp13:
0x6a: {  	_ = 	snop;
	(pc) =	sbr.rel @p0 .LBB2_7-.Ltmp13, $1  }
0x6b: {  	_ =	sdelay $0x3  }
0x6c: {  	p2 =	sne.s32 s28, $0x1  }
.Ltmp14:
0x6d: {  	_ = 	snop;
	(pc) =	sbr.rel @!p2 .LBB2_16-.Ltmp14, $4  }
0x6e: {  	s0 =	sshra.s32 s26, $0x1F  }
0x6f: {  	v5 =	vsub.s32 v5, v2;
	s24 =	sadd.s32 s26, s28;
	s1 =	sshrl.u32 s0, $0x1C  }
0x70: {  	s29 =	sadd.s32 $0x1, s26;
	p1 =	slt.s32 s26, $0x1;
	v5 =	vshll.u32 v5, $0x11;
	s13 =	sadd.s32 s1, s26  }
0x71: {  	p0 =	por $0x0, $0x0;
	s0 =	sadd.s32 $0xFFFFFFFF, s28;
	v5 =	vor.u32 v6, v5;
	s28 =	sand.u32 $0xFFFFFFF0, s13  }
0x72: {  	v6 =	vmctz.xlane vm0  }
0x73: {  	s1 =	sshra.s32 s29, $0x1F;
	p0 =	sne.s32 s26, s28;
	p2 =	sne.s32 s0, $0x1  }
.Ltmp15:
0x74: {  	s30 =	sadd.s32 $0xFFFFFFFF, s0;
	s0 =	sadd.s32 $0x1, s29;
	v6 =	vbroadcast v6, $0x0;
	(pc) =	sbr.rel @!p2 .LBB2_18-.Ltmp15, $4  }
0x75: {  	s31 =	ssub.s32 s26, s28;
	s3 =	simm.s32 $0x1;
	p0 =	por !p1, !p0  }
0x76: {  	s13 =	sshrl.u32 s13, $0x4;
	s4 =	sshrl.u32 s1, $0x1C;
	p0 =	por !p0, !p0  }
0x77: {  	vm1 =	vmmov vm0;
	p1 =	slt.s32 s29, $0x1;
	s4 =	sadd.s32 s4, s29;
	s3 =	simm.s32 @!p0 $0x0  }
0x78: {  	v8 =	vmov s31;
	s28 =	sand.u32 $0xFFFFFFF0, s4;
	p0 =	por $0x1, $0x1;
	v7 =	vperm.xlane v5, v6;
	s3 =	ssub.s32 s13, s3;
	vm2 =	vne.s32 v6, v0;
	v6 =	vmovc v4  }
.LBB2_19:
0x79: {  	s1 =	sshra.s32 s0, $0x1F;
	p3 =	sne.s32 s29, s28  }
0x7a: {  	s3 =	sshll.u32 s3, $0x6;
	s13 =	smov.u32 s4;
	s26 =	smov.u32 s29  }
0x7b: {  	vm3 =	veq.s32 v8, v0;
	vm1 =	vmand vm1, vm2;
	s29 =	smov.u32 s0;
	p2 =	sne.s32 s30, $0x1;
	s30 =	sadd.s32 $0xFFFFFFFF, s30  }
.Ltmp16:
0x7c: {  	v8 =	vmctz.xlane vm1;
	v6 =	vsel vm3, v7, v6;
	s3 =	sshra.s32 s3, $0x2;
	s1 =	sshrl.u32 s1, $0x1C;
	(pc) =	sbr.rel @p2 .LBB2_19-.Ltmp16, $4  }
0x7d: {  	s0 =	sadd.s32 $0x1, s0;
	p1 =	por !p1, !p3;
	[tilespmem:s3+$0x4F00] =	vst v6;
	s4 =	sadd.s32 s1, s29  }
0x7e: {  	p1 =	por !p1, !p1;
	s1 =	sshrl.u32 s13, $0x4;
	s13 =	simm.s32 $0x1;
	v9 =	vbroadcast v8, $0x0  }
0x7f: {  	s3 =	ssub.s32 s26, s28;
	s13 =	simm.s32 @!p1 $0x0  }
0x80: {  	s28 =	sand.u32 $0xFFFFFFF0, s4;
	p1 =	slt.s32 s29, $0x1;
	v8 =	vmov s3;
	s3 =	ssub.s32 s1, s13;
	v7 =	vperm.xlane v5, v9;
	vm2 =	vne.s32 v9, v0  }
0x81: {  	s26 =	smov.u32 s29;
	s13 =	smov.u32 s4  }
.LBB2_21:
0x82: {  	vm1 =	vmand @p0 vm1, vm2  }
0x83: {  	vm0 =	vmmov @p0 vm1  }
0x84: {  	p2 =	sne.s32 s26, s28;
	v9 =	vmctz.xlane vm0  }
0x85: {  	p1 =	por !p1, !p2  }
0x86: {  	s0 =	simm.s32 $0x1;
	s1 =	ssub.s32 s26, s28;
	p1 =	por !p1, !p1;
	v9 =	vbroadcast v9, $0x0  }
.Ltmp17:
0x87: {  	s4 =	sshrl.u32 s13, $0x4;
	vm0 =	veq.s32 @p0 v8, v0;
	s0 =	simm.s32 @!p1 $0x0;
	(pc) =	sbr.rel .LBB2_22-.Ltmp17, $4  }
0x88: {  	s3 =	sshll.u32 @p0 s3, $0x6;
	v6 =	vsel @p0 vm0, v7, v6;
	v7 =	vmov s1;
	s0 =	ssub.s32 s4, s0;
	v5 =	vperm.xlane v5, v9  }
0x89: {  	s1 =	sshra.s32 @p0 s3, $0x2;
	v4 =	vpsel p0, v6, v4;
	vm15 =	veq.s32 v7, v0;
	s0 =	sshll.u32 s0, $0x6  }
0x8a: {  	[tilespmem:s1+$0x4F00] =	vst @p0 v6;
	s0 =	sshra.s32 s0, $0x2;
	v4 =	vsel vm15, v5, v4  }
0x8b: {  	[tilespmem:s0+$0x4F00] =	vst v4  }
.LBB2_9:
.Ltmp18:
0x8c: {  	(pc) =	sbr.rel .LBB2_14-.Ltmp18, $2  }
0x8d: {  	_ =	sdelay $0x2  }
0x8e: {  	vm2 =	vmmov vm1;
	v8 =	vmov v4  }
.LBB2_16:
.Ltmp19:
0x8f: {  	(pc) =	sbr.rel .LBB2_21-.Ltmp19, $2  }
0x90: {  	_ =	sdelay $0x2  }
0x91: {  	vm1 =	vmmov vm0;
	v6 =	vmov v4  }
.LBB2_11:
.Ltmp20:
0x92: {  	(pc) =	sbr.rel .LBB2_14-.Ltmp20, $2  }
0x93: {  	_ =	sdelay $0x2  }
0x94: {  	s24 =	smov.u32 s30;
	vm2 =	vmmov vm1;
	s13 =	smov.u32 s4;
	v8 =	vmov v4  }
.LBB2_18:
.Ltmp21:
0x95: {  	(pc) =	sbr.rel .LBB2_21-.Ltmp21, $2  }
0x96: {  	_ =	sdelay $0x2  }
0x97: {  	s26 =	smov.u32 s29;
	vm1 =	vmmov vm0;
	s13 =	smov.u32 s4;
	v6 =	vmov v4  }
.LBB2_23:
0x98: {  	v5 =	vld [tilespmem:$0x4E80];
	_ =	sdelay $0x4  }
0x99: {  	vm0 =	vge.s32 v5, v2;
	vm1 =	vlt.s32 v5, v3  }
0x9a: {  	vm0 =	vmand vm0, vm1  }
0x9b: {  	v6 =	vmpcnt.ones.xlane vm0;
	_ =	sdelay $0x1  }
0x9c: {  	(v2sf) =	vpush v6, $0x0;
	_ =	sdelay $0xe  }
0x9d: {  	s0 =	spop (v2sf)  }
0x9e: {  	p0 =	slt.s32 s0, $0x1  }
.Ltmp22:
0x9f: {  	_ = 	snop;
	(pc) =	sbr.rel @p0 .LBB2_31-.Ltmp22, $2  }
0xa0: {  	_ =	sdelay $0x2  }
0xa1: {  	v6 =	vld [tilespmem:$0x2700]  }
0xa2: {  	p2 =	sne.s32 s0, $0x1  }
.Ltmp23:
0xa3: {  	_ = 	snop;
	(pc) =	sbr.rel @!p2 .LBB2_25-.Ltmp23, $4  }
0xa4: {  	s1 =	sshra.s32 s24, $0x1F  }
0xa5: {  	v5 =	vsub.s32 v5, v2;
	s1 =	sshrl.u32 s1, $0x1C  }
0xa6: {  	s0 =	sadd.s32 $0xFFFFFFFF, s0;
	s28 =	sadd.s32 $0x1, s24;
	v5 =	vshll.u32 v5, $0x11;
	s4 =	sadd.s32 s1, s24  }
0xa7: {  	p1 =	slt.s32 s24, $0x1;
	p0 =	por $0x0, $0x0;
	s26 =	sand.u32 $0xFFFFFFF0, s4;
	v5 =	vor.u32 v6, v5  }
0xa8: {  	v6 =	vmctz.xlane vm0  }
0xa9: {  	s1 =	sshra.s32 s28, $0x1F;
	p0 =	sne.s32 s24, s26;
	p2 =	sne.s32 s0, $0x1  }
.Ltmp24:
0xaa: {  	s29 =	sadd.s32 $0xFFFFFFFF, s0;
	s25 =	sadd.s32 $0x1, s28;
	v6 =	vbroadcast v6, $0x0;
	(pc) =	sbr.rel @!p2 .LBB2_27-.Ltmp24, $4  }
0xab: {  	s31 =	ssub.s32 s24, s26;
	s3 =	simm.s32 $0x1;
	p0 =	por !p1, !p0  }
0xac: {  	s4 =	sshrl.u32 s4, $0x4;
	s30 =	sshrl.u32 s1, $0x1C;
	p0 =	por !p0, !p0  }
0xad: {  	vm1 =	vmmov vm0;
	p1 =	slt.s32 s28, $0x1;
	s0 =	sadd.s32 s30, s28;
	s3 =	simm.s32 @!p0 $0x0  }
0xae: {  	v8 =	vmov s31;
	s26 =	sand.u32 $0xFFFFFFF0, s0;
	p0 =	por $0x1, $0x1;
	v7 =	vperm.xlane v5, v6;
	s3 =	ssub.s32 s4, s3;
	vm2 =	vne.s32 v6, v0;
	v6 =	vmovc v4  }
.LBB2_28:
0xaf: {  	s1 =	sshra.s32 s25, $0x1F;
	p3 =	sne.s32 s28, s26  }
0xb0: {  	s3 =	sshll.u32 s3, $0x6;
	s4 =	smov.u32 s0;
	s13 =	smov.u32 s28  }
0xb1: {  	vm3 =	veq.s32 v8, v0;
	vm1 =	vmand vm1, vm2;
	s28 =	smov.u32 s25;
	p2 =	sne.s32 s29, $0x1;
	s29 =	sadd.s32 $0xFFFFFFFF, s29  }
.Ltmp25:
0xb2: {  	v8 =	vmctz.xlane vm1;
	v6 =	vsel vm3, v7, v6;
	s0 =	sshra.s32 s3, $0x2;
	s1 =	sshrl.u32 s1, $0x1C;
	(pc) =	sbr.rel @p2 .LBB2_28-.Ltmp25, $4  }
0xb3: {  	s25 =	sadd.s32 $0x1, s25;
	p1 =	por !p1, !p3;
	[tilespmem:s0+$0x4F00] =	vst v6;
	s0 =	sadd.s32 s1, s28  }
0xb4: {  	p1 =	por !p1, !p1;
	s1 =	sshrl.u32 s4, $0x4;
	s4 =	simm.s32 $0x1;
	v9 =	vbroadcast v8, $0x0  }
0xb5: {  	s3 =	ssub.s32 s13, s26;
	s4 =	simm.s32 @!p1 $0x0  }
0xb6: {  	s26 =	sand.u32 $0xFFFFFFF0, s0;
	p1 =	slt.s32 s28, $0x1;
	v8 =	vmov s3;
	s3 =	ssub.s32 s1, s4;
	v7 =	vperm.xlane v5, v9;
	vm2 =	vne.s32 v9, v0  }
0xb7: {  	s24 =	smov.u32 s28;
	s4 =	smov.u32 s0  }
.LBB2_30:
0xb8: {  	vm1 =	vmand @p0 vm1, vm2  }
0xb9: {  	vm0 =	vmmov @p0 vm1  }
0xba: {  	p2 =	sne.s32 s24, s26;
	v9 =	vmctz.xlane vm0  }
0xbb: {  	p1 =	por !p1, !p2  }
0xbc: {  	s0 =	simm.s32 $0x1;
	p1 =	por !p1, !p1;
	v9 =	vbroadcast v9, $0x0  }
0xbd: {  	s1 =	ssub.s32 s24, s26;
	s4 =	sshrl.u32 s4, $0x4;
	vm0 =	veq.s32 @p0 v8, v0;
	s0 =	simm.s32 @!p1 $0x0  }
0xbe: {  	s3 =	sshll.u32 @p0 s3, $0x6;
	v6 =	vsel @p0 vm0, v7, v6;
	v7 =	vmov s1;
	s0 =	ssub.s32 s4, s0;
	v5 =	vperm.xlane v5, v9  }
0xbf: {  	s1 =	sshra.s32 @p0 s3, $0x2;
	v4 =	vpsel p0, v6, v4;
	vm15 =	veq.s32 v7, v0;
	s0 =	sshll.u32 s0, $0x6  }
0xc0: {  	[tilespmem:s1+$0x4F00] =	vst @p0 v6;
	s0 =	sshra.s32 s0, $0x2;
	v4 =	vsel vm15, v5, v4  }
0xc1: {  	s24 =	smov.u32 s25;
	[tilespmem:s0+$0x4F00] =	vst v4  }
.LBB2_31:
0xc2: {  	s1 =	sadd.s32 $0x5F, s24  }
0xc3: {  	s4 =	smulhi.u32 $0x2AAAAAAB, s1;
	s13 =	sshra.s32 s1, $0x1F  }
0xc4: {  	s0 =	sshra.s32 s24, $0x1F;
	s13 =	smul.u32 $0x2AAAAAAB, s13  }
0xc5: {  	s0 =	sshrl.u32 s0, $0x1C  }
0xc6: {  	p0 =	slt.s32 s24, $0x1;
	s0 =	sadd.s32 s0, s24;
	s4 =	sadd.s32 s13, s4  }
0xc7: {  	s3 =	sand.u32 $0xFFFFFFF0, s0;
	s13 =	sshrl.u32 s4, $0x1F;
	s4 =	sshra.s32 s4, $0x4  }
0xc8: {  	s25 =	simm.s32 $0x1;
	p1 =	sne.s32 s24, s3;
	s30 =	sadd.s32 s13, s4  }
0xc9: {  	s31 =	ssub.s32 $0xFFFFFFA1, s24;
	p0 =	por !p0, !p1;
	s4 =	smul.u32 $0xFFFFFFA0, s30  }
0xca: {  	p5 =	slt.s32 s1, $0x1;
	s0 =	sshrl.u32 s0, $0x4;
	p0 =	por !p0, !p0  }
0xcb: {  	s3 =	ssub.s32 s24, s3;
	s25 =	simm.s32 @!p0 $0x0;
	p6 =	sne.s32 s4, s31  }
0xcc: {  	v5 =	vmov s3;
	s0 =	ssub.s32 s0, s25;
	p0 =	por !p5, !p6  }
0xcd: {  	s1 =	simm.s32 $0x1;
	vm0 =	vgt.s32 v5, v0;
	s0 =	sshll.u32 s0, $0x6;
	p0 =	por !p0, !p0  }
0xce: {  	v4 =	vnsel vm0, $0x42000000, v4;
	s0 =	sshra.s32 s0, $0x2;
	s1 =	simm.s32 @!p0 $0x0  }
0xcf: {  	[tilespmem:s0+$0x4F00] =	vst v4;
	s24 =	ssub.s32 s30, s1  }
0xd0: {  	[tilespmem:s0+$0x4F10] =	vst v1;
	p0 =	slt.s32 s24, $0x1  }
.Ltmp26:
0xd1: {  	[tilespmem:s0+$0x4F20] =	vst v1;
	(pc) =	sbr.rel @p0 .LBB2_34-.Ltmp26, $4  }
0xd2: {  	[tilespmem:s0+$0x4F30] =	vst v1  }
0xd3: {  	[tilespmem:s0+$0x4F40] =	vst v1  }
0xd4: {  	[tilespmem:s0+$0x4F50] =	vst v1  }
0xd5: {  	[tilespmem:s0+$0x4F60] =	vst v1  }
0xd6: {  	v4 =	vld [tilespmem:$0x4F00];
	_ =	sdelay $0x1  }
0xd7: {  	v5 =	vld [tilespmem:$0x4F10];
	_ =	sdelay $0x1  }
0xd8: {  	v6 =	vld [tilespmem:$0x4F20]  }
0xd9: {  	v7 =	vand.u32 $0x1FFFF, v4  }
0xda: {  	v62 =	vld [tilespmem:$0x4F30];
	v4 =	vshrl.u32 v4, $0x11;
	[tilespmem:$0x7780] =	vst v7  }
0xdb: {  	[tilespmem:$0x7700] =	vst v4;
	v4 =	vand.u32 $0x1FFFF, v5  }
0xdc: {  	[tilespmem:$0x7790] =	vst v4;
	v4 =	vshrl.u32 v5, $0x11;
	v5 =	vld [tilespmem:$0x4F40]  }
0xdd: {  	[tilespmem:$0x7710] =	vst v4;
	v4 =	vand.u32 $0x1FFFF, v6  }
0xde: {  	v63 =	vld [tilespmem:$0x4F50];
	[tilespmem:$0x77A0] =	vst v4;
	v4 =	vshrl.u32 v6, $0x11  }
0xdf: {  	[tilespmem:$0x7720] =	vst v4;
	v4 =	vand.u32 $0x1FFFF, v62  }
0xe0: {  	[tilespmem:$0x77B0] =	vst v4;
	v4 =	vshrl.u32 v62, $0x11  }
0xe1: {  	[tilespmem:$0x7730] =	vst v4;
	v4 =	vand.u32 $0x1FFFF, v5  }
0xe2: {  	[tilespmem:$0x77C0] =	vst v4;
	v4 =	vshrl.u32 v5, $0x11  }
0xe3: {  	[tilespmem:$0x7740] =	vst v4;
	v4 =	vand.u32 $0x1FFFF, v63  }
0xe4: {  	[tilespmem:$0x77D0] =	vst v4;
	v4 =	vshrl.u32 v63, $0x11  }
0xe5: {  	s25 =	simm.s32 $0x0;
	[tilespmem:$0x7750] =	vst v4  }
0xe6: {  	[tilespmem:s19], [sflag:$0x1] =	stream.indirect.gather [hbm4b:s5+s17], $0x80, s18, s17, $0xb8;
	[tilespmem:$0x1E140] =	vst v63  }
.LBB2_33:
0xe7: {  	s0 =	sand.u32 $0x1, s25  }
0xe8: {  	p0 =	seq.s32 s0, $0x1  }
0xe9: {  	s26 =	sadd.s32 @p0 $0x1, s25  }
0xea: {  	p1 =	sge.s32 @p0 s26, s24  }
0xeb: {  	s0 =	simm.s32 @p0 $0x2;
	p1 =	por p1, !p0  }
0xec: {  	_ =	swait.ge @p0 [sflag:s0], $0x3000;
	s1 =	smul.u32 @!p1 $0x180, s26  }
0xed: {  	[sflag:s0] =	ssyncset.done @p0 $0x0  }
0xee: {  	[sflag:s0] =	ssyncadd.s32 @p0 $0xFFFFD000;
	s0 =	sshra.s32 @!p1 s1, $0x2  }
0xef: {  	v4 =	vld @!p1 [tilespmem:s0+$0x4F00];
	_ =	sdelay $0x4  }
0xf0: {  	v5 =	vand.u32 @!p1 $0x1FFFF, v4  }
0xf1: {  	v4 =	vshrl.u32 @!p1 v4, $0x11;
	[tilespmem:$0x7780] =	vst @!p1 v5  }
0xf2: {  	[tilespmem:$0x7700] =	vst @!p1 v4  }
0xf3: {  	v4 =	vld @!p1 [tilespmem:s0+$0x4F10];
	_ =	sdelay $0x4  }
0xf4: {  	v5 =	vand.u32 @!p1 $0x1FFFF, v4  }
0xf5: {  	v4 =	vshrl.u32 @!p1 v4, $0x11;
	[tilespmem:$0x7790] =	vst @!p1 v5  }
0xf6: {  	[tilespmem:$0x7710] =	vst @!p1 v4  }
0xf7: {  	v4 =	vld @!p1 [tilespmem:s0+$0x4F20];
	_ =	sdelay $0x4  }
0xf8: {  	v5 =	vand.u32 @!p1 $0x1FFFF, v4  }
0xf9: {  	v4 =	vshrl.u32 @!p1 v4, $0x11;
	[tilespmem:$0x77A0] =	vst @!p1 v5  }
0xfa: {  	[tilespmem:$0x7720] =	vst @!p1 v4  }
0xfb: {  	v4 =	vld @!p1 [tilespmem:s0+$0x4F30];
	_ =	sdelay $0x4  }
0xfc: {  	v5 =	vand.u32 @!p1 $0x1FFFF, v4  }
0xfd: {  	v4 =	vshrl.u32 @!p1 v4, $0x11;
	[tilespmem:$0x77B0] =	vst @!p1 v5  }
0xfe: {  	[tilespmem:$0x7730] =	vst @!p1 v4  }
0xff: {  	v4 =	vld @!p1 [tilespmem:s0+$0x4F40];
	_ =	sdelay $0x4  }
0x100: {  	v5 =	vand.u32 @!p1 $0x1FFFF, v4  }
0x101: {  	v4 =	vshrl.u32 @!p1 v4, $0x11;
	[tilespmem:$0x77C0] =	vst @!p1 v5  }
0x102: {  	[tilespmem:$0x7740] =	vst @!p1 v4  }
0x103: {  	v4 =	vld @!p1 [tilespmem:s0+$0x4F50];
	_ =	sdelay $0x4  }
0x104: {  	v5 =	vand.u32 @!p1 $0x1FFFF, v4  }
0x105: {  	v4 =	vshrl.u32 @!p1 v4, $0x11;
	[tilespmem:$0x77D0] =	vst @!p1 v5  }
0x106: {  	s3 =	simm.s32 @!p1 $0x7800;
	s1 =	simm.s32 @!p1 $0x7780;
	s0 =	simm.s32 @!p1 $0x60;
	[tilespmem:$0x7750] =	vst @!p1 v4  }
0x107: {  	[tilespmem:s3], [sflag:$0x1] =	stream.indirect.gather @!p1 [hbm4b:s5+s0], $0x80, s1, s0, $0xb8;
	[tilespmem:$0x1E140] =	vst v63  }
0x108: {  	s0 =	simm.s32 @p0 $0x60;
	s1 =	simm.s32 @p0 $0xA800;
	s3 =	simm.s32 @p0 $0xA900  }
0x109: {  	[spmem:s2] =	stream.indirect.scatter.add.f32 @p0 [tilespmem:s3], [sflag:$0x3], $0x80, s1, s0, $0xb8;
	[tilespmem:$0x1E140] =	vst v63  }
0x10a: {  	s0 =	simm.s32 @p0 $0x3  }
0x10b: {  	s25 =	sor.u32 @!p0 $0x1, s25;
	_ =	swait.ge @p0 [sflag:s0], $0x3000  }
0x10c: {  	p1 =	sge.s32 @!p0 s25, s24;
	[sflag:s0] =	ssyncset.done @p0 $0x0  }
0x10d: {  	p1 =	por p1, p0;
	[sflag:s0] =	ssyncadd.s32 @p0 $0xFFFFD000;
	s0 =	simm.s32 @!p0 $0x1  }
0x10e: {  	s1 =	smul.u32 @!p1 $0x180, s25;
	_ =	swait.ge @!p0 [sflag:s0], $0x3000  }
0x10f: {  	[sflag:s0] =	ssyncset.done @!p0 $0x0  }
0x110: {  	[sflag:s0] =	ssyncadd.s32 @!p0 $0xFFFFD000;
	s0 =	sshra.s32 @!p1 s1, $0x2  }
0x111: {  	v4 =	vld @!p1 [tilespmem:s0+$0x4F00];
	_ =	sdelay $0x4  }
0x112: {  	v5 =	vand.u32 @!p1 $0x1FFFF, v4  }
0x113: {  	v4 =	vshrl.u32 @!p1 v4, $0x11;
	[tilespmem:$0xA880] =	vst @!p1 v5  }
0x114: {  	[tilespmem:$0xA800] =	vst @!p1 v4  }
0x115: {  	v4 =	vld @!p1 [tilespmem:s0+$0x4F10];
	_ =	sdelay $0x4  }
0x116: {  	v5 =	vand.u32 @!p1 $0x1FFFF, v4  }
0x117: {  	v4 =	vshrl.u32 @!p1 v4, $0x11;
	[tilespmem:$0xA890] =	vst @!p1 v5  }
0x118: {  	[tilespmem:$0xA810] =	vst @!p1 v4  }
0x119: {  	v4 =	vld @!p1 [tilespmem:s0+$0x4F20];
	_ =	sdelay $0x4  }
0x11a: {  	v5 =	vand.u32 @!p1 $0x1FFFF, v4  }
0x11b: {  	v4 =	vshrl.u32 @!p1 v4, $0x11;
	[tilespmem:$0xA8A0] =	vst @!p1 v5  }
0x11c: {  	[tilespmem:$0xA820] =	vst @!p1 v4  }
0x11d: {  	v4 =	vld @!p1 [tilespmem:s0+$0x4F30];
	_ =	sdelay $0x4  }
0x11e: {  	v5 =	vand.u32 @!p1 $0x1FFFF, v4  }
0x11f: {  	v4 =	vshrl.u32 @!p1 v4, $0x11;
	[tilespmem:$0xA8B0] =	vst @!p1 v5  }
0x120: {  	[tilespmem:$0xA830] =	vst @!p1 v4  }
0x121: {  	v4 =	vld @!p1 [tilespmem:s0+$0x4F40];
	_ =	sdelay $0x4  }
0x122: {  	v5 =	vand.u32 @!p1 $0x1FFFF, v4  }
0x123: {  	v4 =	vshrl.u32 @!p1 v4, $0x11;
	[tilespmem:$0xA8C0] =	vst @!p1 v5  }
0x124: {  	[tilespmem:$0xA840] =	vst @!p1 v4  }
0x125: {  	v4 =	vld @!p1 [tilespmem:s0+$0x4F50];
	_ =	sdelay $0x4  }
0x126: {  	v5 =	vand.u32 @!p1 $0x1FFFF, v4  }
0x127: {  	v4 =	vshrl.u32 @!p1 v4, $0x11;
	[tilespmem:$0xA8D0] =	vst @!p1 v5  }
0x128: {  	s3 =	simm.s32 @!p1 $0xA900;
	s1 =	simm.s32 @!p1 $0xA880;
	s0 =	simm.s32 @!p1 $0x60;
	[tilespmem:$0xA850] =	vst @!p1 v4  }
0x129: {  	[tilespmem:s3], [sflag:$0x2] =	stream.indirect.gather @!p1 [hbm4b:s5+s0], $0x80, s1, s0, $0xb8;
	[tilespmem:$0x1E140] =	vst v63  }
0x12a: {  	s25 =	smov.u32 @p0 s26;
	s0 =	simm.s32 @!p0 $0x60  }
0x12b: {  	s1 =	simm.s32 @!p0 $0x7700;
	s3 =	simm.s32 @!p0 $0x7800;
	p1 =	sne.s32 s25, s24  }
0x12c: {  	[spmem:s2] =	stream.indirect.scatter.add.f32 @!p0 [tilespmem:s3], [sflag:$0x4], $0x80, s1, s0, $0xb8;
	[tilespmem:$0x1E140] =	vst v63  }
.Ltmp27:
0x12d: {  	_ = 	snop;
	(pc) =	sbr.rel @p1 .LBB2_33-.Ltmp27, $4  }
0x12e: {  	s0 =	simm.s32 @!p0 $0x4  }
0x12f: {  	_ =	swait.ge @!p0 [sflag:s0], $0x3000  }
0x130: {  	[sflag:s0] =	ssyncset.done @!p0 $0x0  }
0x131: {  	[sflag:s0] =	ssyncadd.s32 @!p0 $0xFFFFD000  }
.Ltmp28:
0x132: {  	_ = 	snop;
	(pc) =	sbr.rel .LBB2_34-.Ltmp28, $1  }
0x133: {  	_ =	sdelay $0x3  }
.LBB2_25:
.Ltmp29:
0x134: {  	(pc) =	sbr.rel .LBB2_30-.Ltmp29, $2  }
0x135: {  	_ =	sdelay $0x2  }
0x136: {  	s25 =	smov.u32 s28;
	vm1 =	vmmov vm0;
	v6 =	vmov v4  }
.LBB2_27:
.Ltmp30:
0x137: {  	(pc) =	sbr.rel .LBB2_30-.Ltmp30, $2  }
0x138: {  	_ =	sdelay $0x2  }
0x139: {  	s24 =	smov.u32 s28;
	vm1 =	vmmov vm0;
	s4 =	smov.u32 s0;
	v6 =	vmov v4  }
.LBB2_37:
0x13a: {  	_ =	sfence.sel $0x180000  }
0x13b: {  	[bflag:$0x0] =	sbarrier.arrive $0xFFFF  }
0x13c: {  	_ =	strace $0x9000004A  }
0x13d: {  	s0 =	stileid.u32;
	[bflag:$0x2] =	sbarrier.arrive $0xFFFF  }
0x13e: {  	p0 =	sne.s32 s0, $0x0;
	s0 =	rddreg [dreg:$0x3]  }
0x13f: {  	s0 =	sadd.s32 @!p0 $0x100000, s0  }
0x140: {  	[sflag:s0] =	ssyncadd.tile.s32 @!p0 $0x1;
	_ =	shalt  }
.Lfunc_end2:
_tile_overlayer_lowered:
.L_overlay_start_2:
0x141: {  	(tag) =	ssettag $0x2  }
0x142: {  	s0 =	rddreg [dreg:$0x0];
	s2 =	stileid.u32  }
0x143: {  	s1 =	rddreg [dreg:$0x1];
	p0 =	sne.s32 s2, $0x0  }
0x144: {  	s3 =	rddreg [dreg:$0x2];
	[bflag:$0x3] =	sbarrier.arrive $0xFFFF;
	s2 =	simm.s32 @!p0 $0x1C03  }
0x145: {  	[timem:s3], [sflag:s2] =	dma.local @!p0 [hbm:s0], s1  }
0x146: {  	s0 =	simm.s32 @!p0 $0x3  }
0x147: {  	_ =	swait.ge @!p0 [sflag:s0], s1  }
0x148: {  	s1 =	ssub.s32 @!p0 $0x0, s1;
	[sflag:s0] =	ssyncset.done @!p0 $0x0  }
0x149: {  	[sflag:s0] =	ssyncadd.s32 @!p0 s1  }
0x14a: {  	[bflag:$0x3] =	sbarrier.arrive $0xFFFF  }
0x14b: {  	_ =	shalt  }

// kernel: kernel.7.cloned.1.call-start
scs
__scs_entry_jumppad:
0x0: {  	(pc) =	sbr.rel $0x88, $3  }
0x1: {  	(tag) =	ssettag $0x0;
	lr =	simm.s32 $0x1  }
0x2: {  	[smem:$0x3F99] =	sst lr;
	_ =	strace $0xD0000000  }
0x3: {  	_ = 	snop  }
0x4: {  	_ = 	snop  }
0x5: {  	_ = 	snop  }
0x6: {  	_ = 	snop  }
0x7: {  	_ = 	snop  }
__scs_overlays_trampoline_lowered:
0x8: {  	[smem:$0x3FA8] =	sst s0  }
0x9: {  	[smem:$0x3FA9] =	sst s1  }
0xa: {  	[smem:$0x3FAA] =	sst s2  }
0xb: {  	[smem:$0x3FAB] =	sst s3  }
0xc: {  	[smem:$0x3FAC] =	sst s4  }
0xd: {  	[smem:$0x3FAD] =	sst s5  }
0xe: {  	[smem:$0x3FAE] =	sst s6  }
0xf: {  	[smem:$0x3FAF] =	sst s7  }
0x10: {  	[smem:$0x3FB0] =	sst s8  }
0x11: {  	[smem:$0x3FB1] =	sst s9;
	s0 =	simm.s32 @!p0 $0x0  }
0x12: {  	s1 =	sld [smem:$0x3F97];
	s0 =	simm.s32 @p0 $0x1  }
0x13: {  	[smem:$0x3FB2] =	sst s0;
	s0 =	simm.s32 @!p1 $0x0  }
0x14: {  	s2 =	sld [smem:$0x3F96];
	s0 =	simm.s32 @p1 $0x1  }
0x15: {  	[smem:$0x3FB3] =	sst s0;
	s0 =	simm.s32 @!p2 $0x0  }
0x16: {  	s3 =	sld [smem:$0x3FDB];
	s0 =	simm.s32 @p2 $0x1  }
0x17: {  	s4 =	simm.s32 $0x1BF5;
	[smem:$0x3FB5] =	sst s0  }
0x18: {  	s0 =	sld [smem:$0x3F98];
	_ =	swait.ge [sflag:s4], $0x0  }
0x19: {  	s7 =	sld [smem:$0x3F99]  }
0x1a: {  	s8 =	sadd.s32 $0xFFFFE003, lr  }
0x1b: {  	s9 =	sadd.s32 $0xFFFFFEF7, lr;
	s5 =	simm.s32 $0xFFFFFFFF;
	p2 =	slt.u32 s8, $0xFFFFF086  }
0x1c: {  	p1 =	slt.u32 s9, $0xF7A;
	s5 =	simm.s32 @!p2 $0x0  }
0x1d: {  	s5 =	simm.s32 @p1 $0x1;
	p0 =	seq.s32 s7, s2  }
0x1e: {  	s7 =	smul.u32 @!p0 $0xF7A, s2;
	p2 =	seq.s32 @!p0 s5, $0x0  }
0x1f: {  	s9 =	smul.u32 $0xF7A, s1;
	s8 =	simm.s32 @!p0 $0x1BF5;
	p2 =	por !p2, p0  }
0x20: {  	[sflag:s8] =	ssyncset.s32 @!p0 $0xFFFFF086;
	s6 =	sadd.s32 @!p0 s3, s7;
	s7 =	simm.s32 @!p0 $0x108  }
0x21: {  	s3 =	sadd.s32 s3, s9;
	s6 =	sadd.s32 @!p0 $0x88, s6;
	s7 =	simm.s32 @p2 $0x1082  }
0x22: {  	[simem:s7], [sflag:s8] =	dma.local @!p0 [hbm:s6], $0xF7A  }
0x23: {  	s9 =	sor.u32 $0xD0000000, s2;
	s6 =	simm.s32 $0x108;
	_ =	swait.ge @!p0 [sflag:s8], $0x0  }
0x24: {  	s3 =	sadd.s32 $0x88, s3;
	s6 =	simm.s32 @!p1 $0x1082;
	[sflag:s4] =	ssyncset.s32 $0xFFFFF086  }
0x25: {  	[simem:s6], [sflag:s4] =	dma.local [hbm:s3], $0xF7A  }
0x26: {  	[smem:$0x3F99] =	sst s1;
	(tag) =	ssettag s2;
	_ =	strace s9  }
0x27: {  	s1 =	sld [smem:$0x3FA9]  }
0x28: {  	s2 =	sld [smem:$0x3FAA]  }
0x29: {  	s4 =	sld [smem:$0x3FAC]  }
0x2a: {  	p0 =	seq.s32 s5, $0x0;
	s5 =	sld [smem:$0x3FAD]  }
0x2b: {  	s6 =	sld [smem:$0x3FAE]  }
0x2c: {  	s7 =	sld [smem:$0x3FAF]  }
0x2d: {  	s3 =	simm.s32 $0x108;
	s8 =	sld [smem:$0x3FB0]  }
0x2e: {  	s3 =	simm.s32 @!p0 $0x1082;
	s9 =	sld [smem:$0x3FB1]  }
0x2f: {  	lr =	sadd.s32 s0, s3;
	s0 =	sld [smem:$0x3FA8]  }
0x30: {  	s3 =	sld [smem:$0x3FAB]  }
0x31: {  	[smem:$0x3FB4] =	sst s10  }
0x32: {  	s10 =	sld [smem:$0x3FB2];
	_ =	sdelay $0x3  }
0x33: {  	p0 =	seq.s32 s10, $0x1;
	s10 =	sld [smem:$0x3FB4];
	_ =	sdelay $0x3  }
0x34: {  	[smem:$0x3FB4] =	sst s10  }
0x35: {  	s10 =	sld [smem:$0x3FB3];
	_ =	sdelay $0x3  }
0x36: {  	p1 =	seq.s32 s10, $0x1;
	s10 =	sld [smem:$0x3FB4];
	_ =	sdelay $0x3  }
0x37: {  	[smem:$0x3FB4] =	sst s10  }
0x38: {  	s10 =	sld [smem:$0x3FB5]  }
0x39: {  	_ = 	snop;
	(pc) =	sbr.ind lr, $3  }
0x3a: {  	_ = 	snop  }
0x3b: {  	_ = 	snop  }
0x3c: {  	p2 =	seq.s32 s10, $0x1;
	s10 =	sld [smem:$0x3FB4]  }
0x3d: {  	_ =	shalt  }
0x3e: {  	_ =	shalt  }
0x3f: {  	_ =	shalt  }
0x40: {  	_ =	shalt  }
0x41: {  	_ =	shalt  }
0x42: {  	_ =	shalt  }
0x43: {  	_ =	shalt  }
0x44: {  	_ =	shalt  }
0x45: {  	_ =	shalt  }
0x46: {  	_ =	shalt  }
0x47: {  	_ =	shalt  }
0x48: {  	_ =	shalt  }
0x49: {  	_ =	shalt  }
0x4a: {  	_ =	shalt  }
0x4b: {  	_ =	shalt  }
0x4c: {  	_ =	shalt  }
0x4d: {  	_ =	shalt  }
0x4e: {  	_ =	shalt  }
0x4f: {  	_ =	shalt  }
0x50: {  	_ =	shalt  }
0x51: {  	_ =	shalt  }
0x52: {  	_ =	shalt  }
0x53: {  	_ =	shalt  }
0x54: {  	_ =	shalt  }
0x55: {  	_ =	shalt  }
0x56: {  	_ =	shalt  }
0x57: {  	_ =	shalt  }
0x58: {  	_ =	shalt  }
0x59: {  	_ =	shalt  }
0x5a: {  	_ =	shalt  }
0x5b: {  	_ =	shalt  }
0x5c: {  	_ =	shalt  }
0x5d: {  	_ =	shalt  }
0x5e: {  	_ =	shalt  }
0x5f: {  	_ =	shalt  }
0x60: {  	_ =	shalt  }
0x61: {  	_ =	shalt  }
0x62: {  	_ =	shalt  }
0x63: {  	_ =	shalt  }
0x64: {  	_ =	shalt  }
0x65: {  	_ =	shalt  }
0x66: {  	_ =	shalt  }
0x67: {  	_ =	shalt  }
0x68: {  	_ =	shalt  }
0x69: {  	_ =	shalt  }
0x6a: {  	_ =	shalt  }
0x6b: {  	_ =	shalt  }
0x6c: {  	_ =	shalt  }
0x6d: {  	_ =	shalt  }
0x6e: {  	_ =	shalt  }
0x6f: {  	_ =	shalt  }
0x70: {  	_ =	shalt  }
0x71: {  	_ =	shalt  }
0x72: {  	_ =	shalt  }
0x73: {  	_ =	shalt  }
0x74: {  	_ =	shalt  }
0x75: {  	_ =	shalt  }
0x76: {  	_ =	shalt  }
0x77: {  	_ =	shalt  }
0x78: {  	_ =	shalt  }
0x79: {  	_ =	shalt  }
0x7a: {  	_ =	shalt  }
0x7b: {  	_ =	shalt  }
0x7c: {  	_ =	shalt  }
0x7d: {  	_ =	shalt  }
0x7e: {  	_ =	shalt  }
0x7f: {  	_ =	shalt  }
0x80: {  	_ =	shalt  }
0x81: {  	_ =	shalt  }
0x82: {  	_ =	shalt  }
0x83: {  	_ =	shalt  }
0x84: {  	_ =	shalt  }
0x85: {  	_ =	shalt  }
0x86: {  	_ =	shalt  }
0x87: {  	_ =	shalt  }
.Lfunc_end0:
.L_simem_size_0:
called_computation_lowered:
.L_overlay_start_0:
0x88: {  	s2 =	sld [smem:$0x3FD9]  }
0x89: {  	s3 =	sld [smem:$0x3FFE];
	_ =	sdelay $0x1  }
0x8a: {  	s1 =	srdreg.scid  }
0x8b: {  	s0 =	sand.u32 $0x1, s1  }
0x8c: {  	s16 =	sshll.u32 s0, $0xA;
	s2 =	sadd.s32 s3, s2  }
0x8d: {  	s2 =	sadd.s32 s2, s16  }
0x8e: {  	[smem:$0x3FC0] =	sst s2  }
0x8f: {  	_ = 	snop  }
0x90: {  	(tm) =	ssettm $0x1  }
0x91: {  	s17 =	sld [smem:$0x3FFB];
	_ =	sdelay $0x3  }
0x92: {  	_ =	strace s17  }
0x93: {  	s2 =	sld [smem:$0x3FFC];
	_ =	sdelay $0x3  }
0x94: {  	_ =	strace s2  }
0x95: {  	s2 =	sld [smem:$0x3FFD];
	_ =	sdelay $0x3  }
0x96: {  	_ =	strace s2  }
0x97: {  	_ =	strace $0x8FFFFFFF  }
0x98: {  	s18 =	sld [smem:$0x3FDB];
	_ =	sdelay $0x1  }
0x99: {  	s19 =	simm.s32 $_scs_section_size  }
0x9a: {  	s4 =	simm.s32 $_size__tile_overlayer_lowered;
	s5 =	simm.s32 $_tile_overlayer_lowered  }
0x9b: {  	s22 =	simm.s32 $0x1BFF;
	s21 =	sshll.u32 s5, $0x1;
	s2 =	sadd.s32 s19, s18  }
0x9c: {  	s6 =	simm.s32 $0x0;
	s20 =	sshll.u32 s4, $0x1;
	s4 =	sadd.s32 s21, s2  }
0x9d: {  	[timem:s6], [sflag:s22] =	dma.local [hbm:s4], s20  }
0x9e: {  	_ =	swait.ge [sflag:s22], s20  }
0x9f: {  	s3 =	ssub.s32 $0x0, s20;
	[sflag:s22] =	ssyncset.done $0x0  }
0xa0: {  	[sflag:s22] =	ssyncadd.s32 s3;
	_ =	sdelay $0x1  }
0xa1: {  	s23 =	simm.s32 $0x1B8B  }
0xa2: {  	_ =	swait.ge [sflag:s23], $0x1  }
0xa3: {  	[sflag:s23] =	ssyncset.done $0x0  }
0xa4: {  	s25 =	simm.s32 $0x1B8E;
	s24 =	sld [smem:$0x3FFE];
	[sflag:s23] =	ssyncadd.s32 $0xFFFFFFFF  }
0xa5: {  	s26 =	simm.s32 $execute0_lowered;
	[smem:$0x3FD2] =	sst s25  }
0xa6: {  	s4 =	sshll.u32 s26, $0x1;
	_ =	strace $0x80000046;
	[dreg:$0x1] =	wrdreg $0xFFFFFFFF  }
0xa7: {  	s28 =	simm.s32 $_size_execute0_lowered;
	s2 =	sadd.s32 s2, s4;
	[dreg:$0x0] =	wrdreg $0x0  }
0xa8: {  	s4 =	sshll.u32 s28, $0x1;
	[dreg:$0x2] =	wrdreg s2  }
0xa9: {  	[dreg:$0x3] =	wrdreg s4  }
0xaa: {  	[dreg:$0x4] =	wrdreg $0xC0  }
0xab: {  	_ =	task [dreg:s6], $0x5FFFF  }
0xac: {  	[dreg:$0x1] =	wrdreg $0xFFFFFFFF  }
0xad: {  	[dreg:$0x0] =	wrdreg $0x60  }
0xae: {  	[dreg:$0x2] =	wrdreg s24  }
0xaf: {  	[dreg:$0x3] =	wrdreg $0x1A800  }
0xb0: {  	[dreg:$0x4] =	wrdreg $0x9  }
0xb1: {  	_ =	task.clear_ibuf [dreg:s6], $0x5FFFF;
	_ =	strace $0x90000046  }
0xb2: {  	s29 =	simm.s32 $0x9;
	_ =	strace $0x80000048  }
0xb3: {  	_ =	swait.ge [sflag:s29], $0x1  }
0xb4: {  	[sflag:s29] =	ssyncadd.s32 $0xFFFFFFFF  }
0xb5: {  	_ =	strace $0x90000048  }
0xb6: {  	_ =	sfence  }
0xb7: {  	s30 =	sld [smem:$0x0];
	_ =	sdelay $0x2  }
0xb8: {  	s31 =	sshll.u32 s1, $0xD;
	s1 =	sshrl.u32 s1, $0x2  }
0xb9: {  	s3 =	sand.u32 $0x4000, s31;
	s1 =	sadd.s32 s1, s30  }
0xba: {  	s0 =	sor.u32 s3, s0;
	s1 =	sshll.u32 s1, $0x11  }
0xbb: {  	s0 =	sor.u32 s1, s0  }
0xbc: {  	s0 =	sadd.s32 $0x8F2B, s0  }
0xbd: {  	[sflag:s0] =	ssyncadd.remote.s32 $0x1  }
0xbe: {  	_ =	sfence.sel $0xFFFF  }
0xbf: {  	[dreg:$0x0] =	wrdreg $0xFFFFFFFF;
	(pc) =	sbr.abs _section_cstart, $3  }
0xc0: {  	[dreg:$0x1] =	wrdreg $0xFFFFFFFF  }
0xc1: {  	_ =	task.clear_ibuf [dreg:s6], $0x2FFFF;
	_ =	strace $0x9FFFFFFF  }
0xc2: {  	(tm) =	ssettm $0x7FFFFFFF  }
0xc3: {  	_ =	shalt  }
tec
execute0_lowered:
.L_overlay_start_1:
0x0: {  	(tag) =	ssettag $0x1  }
0x1: {  	s1 =	srdreg.scid  }
0x2: {  	s0 =	stileid.u32;
	s5 =	rddreg [dreg:$0x0]  }
0x3: {  	s2 =	rddreg [dreg:$0x1];
	s3 =	simm.s32 $0x0;
	s13 =	simm.s32 $0x2  }
0x4: {  	s14 =	simm.s32 $0x80;
	s15 =	simm.s32 $0x180;
	s16 =	simm.s32 $0x100  }
0x5: {  	s17 =	simm.s32 $0x50;
	s18 =	simm.s32 $0x0;
	s7 =	smul.u32 $0x1880, s0  }
0x6: {  	s6 =	sand.u32 $0x1, s1;
	s1 =	rddreg [dreg:$0x2];
	s12 =	smul.u32 $0xC350, s0  }
0x7: {  	[smem:$0x7FF] =	sst s3;
	s4 =	smul.u32 $0x18800, s6;
	s8 =	sshll.u32 s6, $0x4  }
0x8: {  	_ =	strace $0x80000047;
	s10 =	ssub.s32 $0x2, s6;
	s11 =	smul.u32 $0xC3500, s6  }
0x9: {  	s8 =	sor.u32 s0, s8;
	s30 =	sshrl.u32 s10, $0x1;
	s6 =	sadd.s32 s7, s2  }
0xa: {  	s4 =	sadd.s32 s7, s4;
	s8 =	smul.u32 $0xC350, s8;
	s10 =	ssub.s32 s10, s30  }
0xb: {  	s31 =	sadd.s32 s12, s11;
	s11 =	simm.s32 $0x200;
	s9 =	sshrl.u32 s4, $0x3  }
0xc: {  	s4 =	sadd.s32 $0x31C00, s5;
	s9 =	sadd.s32 s9, s5;
	s29 =	sshrl.u32 s8, $0x3  }
0xd: {  	s12 =	simm.s32 $0x3;
	s5 =	sadd.s32 s4, s29;
	s8 =	sadd.s32 $0x62A00, s9  }
0xe: {  	v0 =	vimm.f32 $1.000000000e+00;
	v1 =	vimm.f32 $0.0e+00;
	s9 =	smax.u32 s10, $0x1;
	s10 =	sadd.s32 $0x80, s31;
	s7 =	sadd.s32 $0x1860, s5  }
.LBB2_1:
0xf: {  	[tilespmem:$0x180] =	vst v0  }
0x10: {  	[tilespmem:$0x190] =	vst v0  }
0x11: {  	[tilespmem:$0x1A0] =	vst v0  }
0x12: {  	[tilespmem:$0x1B0] =	vst v0  }
0x13: {  	[tilespmem:$0x1C0] =	vst v0  }
0x14: {  	[tilespmem:$0x1D0] =	vst v0  }
0x15: {  	[tilespmem:$0x1E0] =	vst v0  }
0x16: {  	[tilespmem:$0x1F0] =	vst v0;
	s19 =	simm.s32 $0x40;
	s20 =	simm.s32 $0x0  }
.LBB2_2:
0x17: {  	p0 =	sne.s32 s19, $0x61C0;
	[tilespmem:s20+$0x200] =	vst v1;
	s20 =	smov.u32 s19;
	s19 =	sadd.s32 $0x40, s19  }
.Ltmp0:
0x18: {  	(pc) =	sbr.rel @p0 .LBB2_2-.Ltmp0, $2  }
0x19: {  	_ =	sdelay $0x2  }
0x1a: {  	s20 =	sshra.s32 s20, $0x2  }
0x1b: {  	[tilespmem:s20+$0x200] =	vst v1  }
0x1c: {  	[spmem:s6] =	stream.linear.scatter [tilespmem:s11], [sflag:$0x3], $0x1880, $0x38;
	[tilespmem:$0x3300] =	vst v63  }
0x1d: {  	_ =	swait.ge [sflag:s12], $0x1880  }
0x1e: {  	[sflag:s12] =	ssyncset.done $0x0  }
0x1f: {  	[sflag:s12] =	ssyncadd.s32 $0xFFFFE780  }
0x20: {  	s19 =	simm.s32 $0x0;
	[bflag:$0x0] =	sbarrier.arrive $0xFFFF  }
0x21: {  	[tilespmem:s19], [sflag:$0x1] =	stream.linear.gather [hbm4b:s5+s19], $0x80, $0x38;
	[tilespmem:$0x3300] =	vst v63  }
0x22: {  	s19 =	sand.u32 $0x1, s19  }
0x23: {  	p0 =	seq.s32 s19, $0x1  }
0x24: {  	s19 =	simm.s32 @p0 $0x2  }
0x25: {  	_ =	swait.ge @p0 [sflag:s19], $0x80  }
0x26: {  	s30 =	sshrl.u32 s10, $0x3;
	[sflag:s19] =	ssyncset.done @p0 $0x0  }
0x27: {  	s20 =	sadd.s32 s4, s30;
	[sflag:s19] =	ssyncadd.s32 @p0 $0xFFFFFF80;
	s19 =	simm.s32 @p0 $0x0  }
0x28: {  	[tilespmem:s19], [sflag:$0x1] =	stream.linear.gather @p0 [hbm4b:s20+s19], $0x80, $0x38;
	[tilespmem:$0x3300] =	vst v63  }
0x29: {  	s21 =	simm.s32 @p0 $0x180;
	s22 =	simm.s32 @!p0 $0x1;
	s19 =	simm.s32 @p0 $0x80  }
0x2a: {  	[spmem:s2] =	stream.indirect.scatter.add.f32 @p0 [tilespmem:s21], [sflag:$0x3], $0x1, s19, s19, $0xb8;
	[tilespmem:$0x3300] =	vst v63  }
0x2b: {  	_ =	swait.ge @!p0 [sflag:s22], $0x80  }
0x2c: {  	s19 =	simm.s32 @!p0 $0x4;
	[sflag:s22] =	ssyncset.done @!p0 $0x0  }
0x2d: {  	s21 =	simm.s32 @!p0 $0x0;
	[sflag:s22] =	ssyncadd.s32 @!p0 $0xFFFFFF80;
	s22 =	simm.s32 @!p0 $0x80  }
0x2e: {  	[tilespmem:s22], [sflag:$0x2] =	stream.linear.gather @!p0 [hbm4b:s20+s21], $0x80, $0x38;
	[tilespmem:$0x3300] =	vst v63  }
0x2f: {  	s19 =	simm.s32 @p0 $0x3;
	s20 =	simm.s32 @!p0 $0x180  }
0x30: {  	[spmem:s2] =	stream.indirect.scatter.add.f32 @!p0 [tilespmem:s20], [sflag:$0x4], $0x1, s21, s22, $0xb8;
	[tilespmem:$0x3300] =	vst v63  }
0x31: {  	s31 =	simm.s32 $0x1;
	s21 =	simm.s32 $0x2;
	_ =	swait.ge [sflag:s19], $0x80  }
0x32: {  	s22 =	sand.u32 $0x1, s31;
	s20 =	sadd.s32 $0x80, s10;
	[sflag:s19] =	ssyncset.done $0x0  }
.LBB2_4:
0x33: {  	p1 =	seq.s32 s22, $0x1  }
0x34: {  	[sflag:s19] =	ssyncadd.s32 $0xFFFFFF80;
	s22 =	smov.u32 s21;
	s21 =	sadd.s32 $0x1, s21  }
0x35: {  	p0 =	sne.s32 s21, $0x185;
	s23 =	simm.s32 @p1 $0x2;
	s19 =	simm.s32 @!p1 $0x4  }
0x36: {  	_ =	swait.ge @p1 [sflag:s23], $0x80  }
0x37: {  	s24 =	sshrl.u32 s20, $0x3;
	[sflag:s23] =	ssyncset.done @p1 $0x0  }
0x38: {  	s24 =	sadd.s32 s4, s24;
	[sflag:s23] =	ssyncadd.s32 @p1 $0xFFFFFF80;
	s23 =	simm.s32 @p1 $0x0  }
0x39: {  	[tilespmem:s23], [sflag:$0x1] =	stream.linear.gather @p1 [hbm4b:s24+s23], $0x80, $0x38;
	[tilespmem:$0x3300] =	vst v63  }
0x3a: {  	s25 =	simm.s32 @p1 $0x180;
	s26 =	simm.s32 @!p1 $0x1;
	s23 =	simm.s32 @p1 $0x80  }
0x3b: {  	[spmem:s2] =	stream.indirect.scatter.add.f32 @p1 [tilespmem:s25], [sflag:$0x3], $0x1, s23, s23, $0xb8;
	[tilespmem:$0x3300] =	vst v63  }
0x3c: {  	_ =	swait.ge @!p1 [sflag:s26], $0x80  }
0x3d: {  	[sflag:s26] =	ssyncset.done @!p1 $0x0  }
0x3e: {  	s23 =	simm.s32 @!p1 $0x0;
	s25 =	simm.s32 @!p1 $0x80;
	[sflag:s26] =	ssyncadd.s32 @!p1 $0xFFFFFF80  }
0x3f: {  	[tilespmem:s25], [sflag:$0x2] =	stream.linear.gather @!p1 [hbm4b:s24+s23], $0x80, $0x38;
	[tilespmem:$0x3300] =	vst v63  }
.Ltmp1:
0x40: {  	_ = 	snop;
	(pc) =	sbr.rel @p0 .LBB2_4-.Ltmp1, $4  }
0x41: {  	s19 =	simm.s32 @p1 $0x3;
	s24 =	simm.s32 @!p1 $0x180  }
0x42: {  	[spmem:s2] =	stream.indirect.scatter.add.f32 @!p1 [tilespmem:s24], [sflag:$0x4], $0x1, s23, s25, $0xb8;
	[tilespmem:$0x3300] =	vst v63  }
0x43: {  	_ =	swait.ge [sflag:s19], $0x80  }
0x44: {  	s20 =	sadd.s32 $0x80, s20;
	s22 =	sand.u32 $0x1, s22;
	[sflag:s19] =	ssyncset.done $0x0  }
0x45: {  	p0 =	seq.s32 s22, $0x1  }
0x46: {  	[sflag:s19] =	ssyncadd.s32 $0xFFFFFF80;
	s19 =	simm.s32 @p0 $0x2  }
0x47: {  	_ =	swait.ge @p0 [sflag:s19], $0x80  }
0x48: {  	s20 =	sshrl.u32 s20, $0x3;
	[sflag:s19] =	ssyncset.done @p0 $0x0  }
0x49: {  	s20 =	sadd.s32 s4, s20;
	[sflag:s19] =	ssyncadd.s32 @p0 $0xFFFFFF80;
	s19 =	simm.s32 @p0 $0x0  }
0x4a: {  	[tilespmem:s19], [sflag:$0x1] =	stream.linear.gather @p0 [hbm4b:s20+s19], $0x80, $0x38;
	[tilespmem:$0x3300] =	vst v63  }
0x4b: {  	s21 =	simm.s32 @p0 $0x180;
	s22 =	simm.s32 @!p0 $0x1;
	s19 =	simm.s32 @p0 $0x80  }
0x4c: {  	[spmem:s2] =	stream.indirect.scatter.add.f32 @p0 [tilespmem:s21], [sflag:$0x3], $0x1, s19, s19, $0xb8;
	[tilespmem:$0x3300] =	vst v63  }
0x4d: {  	_ =	swait.ge @!p0 [sflag:s22], $0x80  }
0x4e: {  	s19 =	simm.s32 @!p0 $0x4;
	[sflag:s22] =	ssyncset.done @!p0 $0x0  }
0x4f: {  	s21 =	simm.s32 @!p0 $0x0;
	[sflag:s22] =	ssyncadd.s32 @!p0 $0xFFFFFF80;
	s22 =	simm.s32 @!p0 $0x80  }
0x50: {  	[tilespmem:s22], [sflag:$0x2] =	stream.linear.gather @!p0 [hbm4b:s20+s21], $0x80, $0x38;
	[tilespmem:$0x3300] =	vst v63  }
0x51: {  	s19 =	simm.s32 @p0 $0x3;
	s20 =	simm.s32 @!p0 $0x180  }
0x52: {  	[spmem:s2] =	stream.indirect.scatter.add.f32 @!p0 [tilespmem:s20], [sflag:$0x4], $0x1, s21, s22, $0xb8;
	[tilespmem:$0x3300] =	vst v63  }
0x53: {  	_ =	swait.ge [sflag:s19], $0x80  }
0x54: {  	[sflag:s19] =	ssyncset.done $0x0  }
0x55: {  	[sflag:s19] =	ssyncadd.s32 $0xFFFFFF80  }
0x56: {  	_ =	swait.ge [sflag:s13], $0x80  }
0x57: {  	[sflag:s13] =	ssyncset.done $0x0  }
0x58: {  	[sflag:s13] =	ssyncadd.s32 $0xFFFFFF80  }
0x59: {  	[spmem:s2] =	stream.indirect.scatter.add.f32 [tilespmem:s15], [sflag:$0x3], $0x1, s14, s14, $0xb8;
	[tilespmem:$0x3300] =	vst v63  }
0x5a: {  	_ =	swait.ge [sflag:s12], $0x80  }
0x5b: {  	[sflag:s12] =	ssyncset.done $0x0  }
0x5c: {  	[sflag:s12] =	ssyncadd.s32 $0xFFFFFF80  }
0x5d: {  	[tilespmem:s16], [sflag:$0x3] =	stream.linear.gather [hbm4b:s7+s3], $0x50, $0x38;
	[tilespmem:$0x3300] =	vst v63  }
0x5e: {  	_ =	swait.ge [sflag:s12], $0x50  }
0x5f: {  	[sflag:s12] =	ssyncset.done $0x0  }
0x60: {  	[sflag:s12] =	ssyncadd.s32 $0xFFFFFFB0  }
0x61: {  	[spmem:s2] =	stream.indirect.scatter.add.f32 [tilespmem:s15], [sflag:$0x3], $0x1, s16, s17, $0xb8;
	[tilespmem:$0x3300] =	vst v63  }
0x62: {  	_ =	swait.ge [sflag:s12], $0x50  }
0x63: {  	s30 =	sshll.u32 s0, $0x6;
	s18 =	sadd.s32 $0x1, s18;
	[sflag:s12] =	ssyncset.done $0x0  }
0x64: {  	s31 =	sshrl.u32 s6, $0x3;
	p0 =	sne.s32 s18, s9;
	[sflag:s12] =	ssyncadd.s32 $0xFFFFFFB0  }
.Ltmp2:
0x65: {  	s19 =	sor.u32 $0x1C03, s30;
	[bflag:$0x0] =	sbarrier.arrive $0xFFFF;
	(pc) =	sbr.rel @p0 .LBB2_1-.Ltmp2, $4  }
0x66: {  	[hbm:s8], [sflag:s19] =	dma.local [spmem:s31], $0x310  }
0x67: {  	_ =	swait.ge [sflag:s12], $0x310  }
0x68: {  	[sflag:s12] =	ssyncset.done $0x0  }
0x69: {  	[sflag:s12] =	ssyncadd.s32 $0xFFFFFCF0  }
0x6a: {  	_ =	sfence.sel $0x180000  }
0x6b: {  	[bflag:$0x0] =	sbarrier.arrive $0xFFFF  }
0x6c: {  	p0 =	sne.s32 s0, $0x0;
	_ =	strace $0x90000047  }
0x6d: {  	s0 =	sadd.s32 @!p0 $0x100000, s1;
	[bflag:$0x2] =	sbarrier.arrive $0xFFFF  }
0x6e: {  	[sflag:s0] =	ssyncadd.tile.s32 @!p0 $0x1;
	_ =	shalt  }
.Lfunc_end2:
_tile_overlayer_lowered:
.L_overlay_start_2:
0x6f: {  	(tag) =	ssettag $0x2  }
0x70: {  	s0 =	rddreg [dreg:$0x0];
	s2 =	stileid.u32  }
0x71: {  	s1 =	rddreg [dreg:$0x1];
	p0 =	sne.s32 s2, $0x0  }
0x72: {  	s3 =	rddreg [dreg:$0x2];
	[bflag:$0x3] =	sbarrier.arrive $0xFFFF;
	s2 =	simm.s32 @!p0 $0x1C03  }
0x73: {  	[timem:s3], [sflag:s2] =	dma.local @!p0 [hbm:s0], s1  }
0x74: {  	s0 =	simm.s32 @!p0 $0x3  }
0x75: {  	_ =	swait.ge @!p0 [sflag:s0], s1  }
0x76: {  	s1 =	ssub.s32 @!p0 $0x0, s1;
	[sflag:s0] =	ssyncset.done @!p0 $0x0  }
0x77: {  	[sflag:s0] =	ssyncadd.s32 @!p0 s1  }
0x78: {  	[bflag:$0x3] =	sbarrier.arrive $0xFFFF  }
0x79: {  	_ =	shalt  }

</sc_bundles>
